<compile_context>
chip_gen: v7x
topology: tpu7x:2x2x1
jax: 0.10.2.dev20260603
libtpu: 0.0.44.dev20260713+nightly
codegen_flags: <defaults>
</compile_context>

<pallas_src>
import jax
import jax.numpy as jnp
from jax import lax
from jax.experimental import pallas as pl
from jax.experimental.pallas import tpu as pltpu
from jax.experimental.pallas import tpu_sc as plsc

N = 10000
E = 320000
D_IN = 128
D_OUT = 64
R = 16
VOCAB = 33
G = 256

VPAD = 64
WSTRIDE = 564
WROWS = (R + 1) * VOCAB
ROOT_COL = R * VOCAB
TRASH_IDX = WROWS

NC = 2
NS = 16
NW = NC * NS
L = 16

C = 10000
CNT_PER_TILE = E // NS
MSG_PER_TILE = E // NW
NTPT = 320
NPAD = NW * NTPT
WACC_WORDS = G * WSTRIDE
WSLICE = WACC_WORDS // NS


def _sc_body(src_hbm, dst_hbm, rel_hbm, x_hbm, b_hbm,
             wacc_out,
             xtab_v, btab_v,
             srcb_v, relb_v, aux_v, seg_v, rel2_v, widx_v, cnt_v, zbuf_v,
             nidx_v, nones_v,
             sem_t, sem_z, sem_p, sem_c,
             cnt_s, wacc_s):
    cid = lax.axis_index("c")
    sid = lax.axis_index("s")
    wid = sid * NC + cid

    zeros16 = jnp.zeros((L,), jnp.float32)
    ones16 = jnp.ones((L,), jnp.float32)

    with jax.named_scope("sc_setup"):
        cp_x = pltpu.async_copy(x_hbm, xtab_v, sem_t)
        cp_b = pltpu.async_copy(b_hbm, btab_v, sem_t)

        def _fill_z(i, _):
            for u in range(8):
                zbuf_v[pl.ds((i * 8 + u) * L, L)] = zeros16
            return 0
        lax.fori_loop(0, WSLICE // (8 * L), _fill_z, 0)
        for u in range(WSLICE // (8 * L) * 8, WSLICE // L):
            zbuf_v[pl.ds(u * L, L)] = zeros16

        cnt_slice = (N * R) // NS
        cp_z1 = pltpu.async_copy(
            zbuf_v.at[pl.ds(0, 5000)],
            cnt_s.at[pl.ds(sid * cnt_slice, 5000)], sem_z)
        cp_z1b = pltpu.async_copy(
            zbuf_v.at[pl.ds(0, 5000)],
            cnt_s.at[pl.ds(sid * cnt_slice + 5000, 5000)], sem_z)
        cp_z2 = pltpu.async_copy(
            zbuf_v, wacc_s.at[pl.ds(sid * WSLICE, WSLICE)], sem_z)

        def _fill_nones(i, _):
            nones_v[pl.ds(i * L, L)] = ones16
            return 0
        lax.fori_loop(0, NTPT // L, _fill_nones, 0)

        cp_z1.wait()
        cp_z1b.wait()
        cp_z2.wait()

        def _fill_ones(i, _):
            for u in range(8):
                cnt_v[pl.ds((i * 8 + u) * L, L)] = ones16
            return 0
        lax.fori_loop(0, C // (8 * L), _fill_ones, 0)
        for u in range(C // (8 * L) * 8, C // L):
            cnt_v[pl.ds(u * L, L)] = ones16

        moff = wid * MSG_PER_TILE
        cp_p1 = pltpu.async_copy(src_hbm.at[pl.ds(moff, C)], srcb_v, sem_p)
        cp_p2 = pltpu.async_copy(dst_hbm.at[pl.ds(moff, C)], widx_v, sem_p)
        cp_p3 = pltpu.async_copy(rel_hbm.at[pl.ds(moff, C)], rel2_v, sem_p)

        cp_x.wait()
        cp_b.wait()
    plsc.subcore_barrier()

    with jax.named_scope("sc_counts"):
        off0 = sid * CNT_PER_TILE
        cp_l1 = pltpu.async_copy(dst_hbm.at[pl.ds(off0, C)], aux_v, sem_t)
        cp_l2 = pltpu.async_copy(rel_hbm.at[pl.ds(off0, C)], relb_v, sem_t)
        cp_l1.wait()
        cp_l2.wait()

        def _seg0(k, _):
            sl = pl.ds(k * L, L)
            seg_v[sl] = aux_v[sl] * R + relb_v[sl]
            return 0
        lax.fori_loop(0, C // L, _seg0, 0)
        cp_a0 = pltpu.async_copy(cnt_v, cnt_s.at[seg_v], sem_c, add=True)

        off1 = off0 + C
        cp_l3 = pltpu.async_copy(dst_hbm.at[pl.ds(off1, C)], aux_v, sem_t)
        cp_l4 = pltpu.async_copy(rel_hbm.at[pl.ds(off1, C)], relb_v, sem_t)
        cp_l3.wait()
        cp_l4.wait()
        cp_a0.wait()

        def _seg1(k, _):
            sl = pl.ds(k * L, L)
            seg_v[sl] = aux_v[sl] * R + relb_v[sl]
            return 0
        lax.fori_loop(0, C // L, _seg1, 0)
        cp_a1 = pltpu.async_copy(cnt_v, cnt_s.at[seg_v], sem_c, add=True)
        cp_a1.wait()
    plsc.subcore_barrier()

    with jax.named_scope("sc_hist"):
        cp_p1.wait()
        cp_p2.wait()
        cp_p3.wait()

        def _idx(k, _):
            sl = pl.ds(k * L, L)
            s16 = srcb_v[sl]
            d16 = widx_v[sl]
            r16 = rel2_v[sl]
            seg_v[sl] = d16 * R + r16
            xs = plsc.load_gather(xtab_v, [s16])
            g16 = plsc.load_gather(btab_v, [d16])
            aux_v[sl] = g16 * WSTRIDE + r16 * VOCAB + xs
            return 0
        lax.fori_loop(0, C // L, _idx, 0)

        pltpu.sync_copy(cnt_s.at[seg_v], cnt_v)

        def _nrm(k, _):
            sl = pl.ds(k * L, L)
            cnt_v[sl] = 1.0 / jnp.maximum(cnt_v[sl], 1.0)
            return 0
        lax.fori_loop(0, C // L, _nrm, 0)
        cp_w = pltpu.async_copy(cnt_v, wacc_s.at[aux_v], sem_c, add=True)

    with jax.named_scope("sc_nodes"):
        i16 = lax.iota(jnp.int32, L)
        trash = jnp.full((L,), TRASH_IDX, jnp.int32)

        def _node(k, _):
            sl = pl.ds(k * L, L)
            noff = wid * NTPT + k * L
            noff_c = jnp.minimum(noff, N - L)
            xs = xtab_v[pl.ds(noff_c, L)]
            g16 = btab_v[pl.ds(noff_c, L)]
            nw = g16 * WSTRIDE + ROOT_COL + xs
            nidx_v[sl] = jnp.where(noff + i16 < N, nw, trash)
            return 0
        lax.fori_loop(0, NTPT // L, _node, 0)
        cp_n = pltpu.async_copy(nones_v, wacc_s.at[nidx_v], sem_c, add=True)
        cp_w.wait()
        cp_n.wait()
    plsc.subcore_barrier()

    with jax.named_scope("sc_out"):
        pltpu.sync_copy(wacc_s.at[pl.ds(sid * WSLICE, WSLICE)], zbuf_v)
        pltpu.sync_copy(zbuf_v,
                        wacc_out.at[pl.ds((cid * NS + sid) * WSLICE, WSLICE)])


def _sc_call(src, dst, rel, xflat, batch):
    mesh = plsc.VectorSubcoreMesh(core_axis_name="c", subcore_axis_name="s")
    kern = pl.kernel(
        _sc_body,
        out_type=jax.ShapeDtypeStruct((NC * WACC_WORDS,), jnp.float32),
        mesh=mesh,
        compiler_params=pltpu.CompilerParams(needs_layout_passes=False),
        scratch_types=[
            pltpu.VMEM((N,), jnp.int32),
            pltpu.VMEM((N,), jnp.int32),
            pltpu.VMEM((C,), jnp.int32),
            pltpu.VMEM((C,), jnp.int32),
            pltpu.VMEM((C,), jnp.int32),
            pltpu.VMEM((C,), jnp.int32),
            pltpu.VMEM((C,), jnp.int32),
            pltpu.VMEM((C,), jnp.int32),
            pltpu.VMEM((C,), jnp.float32),
            pltpu.VMEM((WSLICE,), jnp.float32),
            pltpu.VMEM((NTPT,), jnp.int32),
            pltpu.VMEM((NTPT,), jnp.float32),
            pltpu.SemaphoreType.DMA,
            pltpu.SemaphoreType.DMA,
            pltpu.SemaphoreType.DMA,
            pltpu.SemaphoreType.DMA,
            pltpu.VMEM_SHARED((N * R,), jnp.float32),
            pltpu.VMEM_SHARED((WACC_WORDS,), jnp.float32),
        ],
    )
    return kern(src, dst, rel, xflat, batch)


def _prep_body(emb_ref, w_ref, out_ref):
    out_ref[0] = jnp.dot(emb_ref[...], w_ref[0],
                         preferred_element_type=jnp.float32)


def _prep(emb_padded, w_all):
    return pl.pallas_call(
        _prep_body,
        grid=(R + 1,),
        in_specs=[
            pl.BlockSpec((VPAD, D_IN), lambda j: (0, 0)),
            pl.BlockSpec((1, D_IN, D_OUT), lambda j: (j, 0, 0)),
        ],
        out_specs=pl.BlockSpec((1, VPAD, D_OUT), lambda j: (j, 0, 0)),
        out_shape=jax.ShapeDtypeStruct((R + 1, VPAD, D_OUT), jnp.float32),
    )(emb_padded, w_all)


def _final_body(w_ref, m_ref, bias_ref, out_ref):
    w = w_ref[0] + w_ref[1]
    n = jnp.sum(w[:, ROOT_COL:ROOT_COL + VOCAB], axis=1)
    pool = jnp.dot(w, m_ref[...], preferred_element_type=jnp.float32)
    out_ref[...] = ((pool + n[:, None] * bias_ref[...][None, :])
                    / jnp.maximum(n, 1.0)[:, None])


def _final(w_parts, m564, bias):
    return pl.pallas_call(
        _final_body,
        out_shape=jax.ShapeDtypeStruct((G, D_OUT), jnp.float32),
    )(w_parts, m564, bias)


def kernel(x, edge_index, edge_attr, batch, emb_table, W_rel, W_root, bias):
    emb_padded = jnp.zeros((VPAD, D_IN), jnp.float32).at[:VOCAB].set(emb_table)
    w_all = jnp.concatenate([W_rel, W_root[None]], axis=0)

    src = edge_index[0].astype(jnp.int32)
    dst = edge_index[1].astype(jnp.int32)
    rel = edge_attr.reshape(-1).astype(jnp.int32)
    xflat = x.reshape(-1).astype(jnp.int32)
    batch_i = batch.astype(jnp.int32)

    m = _prep(emb_padded, w_all)
    m564 = jnp.zeros((WSTRIDE, D_OUT), jnp.float32).at[:WROWS].set(
        m[:, :VOCAB, :].reshape(WROWS, D_OUT))

    wacc = _sc_call(src, dst, rel, xflat, batch_i)
    w_parts = wacc.reshape(NC, G, WSTRIDE)
    return _final(w_parts, m564, bias)

# --- scband reference (transcript-rebuilt; emitter-appended) ---
"""Pipeline reference for scband-graph-encoder-23759759081888 (READ-ONLY COPY).

The authoritative reference and input builder live on the scoring server;
editing this copy changes nothing except your own understanding.
"""

import jax, jax.numpy as jnp
import numpy as np

N = 10000
E = 320000
D_IN = 128
D_OUT = 64
R = 16
VOCAB = 33  # num_objs + 1
G = 256     # number of graphs in the batch


def setup_inputs(seed: int = 0) -> dict:
    key = jax.random.key(seed)
    ks = jax.random.split(key, 8)
    x = jax.random.randint(ks[0], (N, 1), 0, VOCAB)
    edge_index = jax.random.randint(ks[1], (2, E), 0, N)
    edge_attr = jax.random.randint(ks[2], (E, 1), 0, R)
    batch = jnp.sort(jax.random.randint(ks[3], (N,), 0, G))
    emb_table = jax.random.normal(ks[4], (VOCAB, D_IN), dtype=jnp.float32)
    W_rel = jax.random.normal(ks[5], (R, D_IN, D_OUT), dtype=jnp.float32) / np.sqrt(D_IN)
    W_root = jax.random.normal(ks[6], (D_IN, D_OUT), dtype=jnp.float32) / np.sqrt(D_IN)
    bias = jnp.zeros((D_OUT,), dtype=jnp.float32)
    return {"x": x, "edge_index": edge_index, "edge_attr": edge_attr, "batch": batch,
            "emb_table": emb_table, "W_rel": W_rel, "W_root": W_root, "bias": bias}


def reference(x, edge_index, edge_attr, batch, emb_table, W_rel, W_root, bias):
    # obj_embeddings lookup: [N,1] -> [N,1,D_IN] -> squeeze(1) -> [N,D_IN]
    h = jnp.squeeze(jnp.take(emb_table, x, axis=0), axis=1)
    src = edge_index[0]
    dst = edge_index[1]
    rel = edge_attr.reshape(-1).astype(jnp.int32)
    # RGCNConv (mean aggregation per relation):
    # x_i' = W_root x_i + bias + sum_r sum_{j in N_r(i)} (1/|N_r(i)|) W_r x_j
    hW = jnp.einsum('nd,rdo->rno', h, W_rel)           # [R, N, D_OUT]
    msgs = hW.reshape(R * N, D_OUT)[rel * N + src]      # [E, D_OUT] gather per edge
    seg = dst * R + rel                                 # per (dst, relation) segment
    cnt = jax.ops.segment_sum(jnp.ones((E,), jnp.float32), seg, num_segments=N * R)
    norm = 1.0 / jnp.maximum(cnt, 1.0)
    msgs = msgs * norm[seg][:, None]
    agg = jax.ops.segment_sum(msgs, dst, num_segments=N)
    node_out = agg + h @ W_root + bias                  # [N, D_OUT]
    # scatter_mean over graph assignment vector
    sums = jax.ops.segment_sum(node_out, batch, num_segments=G)
    counts = jax.ops.segment_sum(jnp.ones((N,), jnp.float32), batch, num_segments=G)
    pool_out = sums / jnp.maximum(counts, 1.0)[:, None]  # [G, D_OUT]
    return pool_out

if __name__ == "__main__":
    import jax
    _d = setup_inputs()
    print(jax.jit(kernel)(*tuple(_d.values())))

</pallas_src>

<mosaic_0001>
#map = affine_map<(d0, d1) -> (0)>
module attributes {stable_mosaic.version = 14 : i64} {
  func.func @_sc_body(%arg0: i32, %arg1: i32, %arg2: memref<320000xi32, #tpu.memory_space<hbm>>, %arg3: memref<320000xi32, #tpu.memory_space<hbm>>, %arg4: memref<320000xi32, #tpu.memory_space<hbm>>, %arg5: memref<10000xi32, #tpu.memory_space<hbm>>, %arg6: memref<10000xi32, #tpu.memory_space<hbm>>, %arg7: memref<288768xf32, #tpu.memory_space<hbm>>, %arg8: memref<10000xi32, #tpu.memory_space<vmem>>, %arg9: memref<10000xi32, #tpu.memory_space<vmem>>, %arg10: memref<10000xi32, #tpu.memory_space<vmem>>, %arg11: memref<10000xi32, #tpu.memory_space<vmem>>, %arg12: memref<10000xi32, #tpu.memory_space<vmem>>, %arg13: memref<10000xi32, #tpu.memory_space<vmem>>, %arg14: memref<10000xi32, #tpu.memory_space<vmem>>, %arg15: memref<10000xi32, #tpu.memory_space<vmem>>, %arg16: memref<10000xf32, #tpu.memory_space<vmem>>, %arg17: memref<9024xf32, #tpu.memory_space<vmem>>, %arg18: memref<320xi32, #tpu.memory_space<vmem>>, %arg19: memref<320xf32, #tpu.memory_space<vmem>>, %arg20: memref<!tpu.dma_semaphore, #tpu.memory_space<semaphore_mem>>, %arg21: memref<!tpu.dma_semaphore, #tpu.memory_space<semaphore_mem>>, %arg22: memref<!tpu.dma_semaphore, #tpu.memory_space<semaphore_mem>>, %arg23: memref<!tpu.dma_semaphore, #tpu.memory_space<semaphore_mem>>, %arg24: memref<160000xf32, #tpu.memory_space<vmem_shared>>, %arg25: memref<144384xf32, #tpu.memory_space<vmem_shared>>) attributes {dimension_semantics = [#tpu.dimension_semantics<core_parallel>, #tpu.dimension_semantics<subcore_parallel>], iteration_bounds = array<i64: 2, 16>, scalar_prefetch = 0 : i64, scratch_operands = 18 : i64, tpu.core_type = #tpu.core_type<sc_vector_subcore>, window_params = [{transform_indices = #map}, {transform_indices = #map}, {transform_indices = #map}, {transform_indices = #map}, {transform_indices = #map}, {transform_indices = #map}]} {
    %mul3A = arith.constant 2 : i32
    %mul3A_0 = arith.muli %arg1, %mul3A : i32
    %add3A = arith.addi %mul3A_0, %arg0 : i32
    %broadcast_in_dim3A = arith.constant 0.000000e+00 : f32
    %broadcast_in_dim3A_1 = vector.broadcast %broadcast_in_dim3A : f32 to vector<16xf32>
    %broadcast_in_dim3A_2 = arith.constant 1.000000e+00 : f32
    %broadcast_in_dim3A_3 = vector.broadcast %broadcast_in_dim3A_2 : f32 to vector<16xf32>
    "tpu.trace_start"() <{level = 10 : i32, message = "sc_setup"}> : () -> ()
    tpu.enqueue_dma source(%arg5 : memref<10000xi32, #tpu.memory_space<hbm>>) target(%arg8 : memref<10000xi32, #tpu.memory_space<vmem>>) target_semaphore(%arg20 : memref<!tpu.dma_semaphore, #tpu.memory_space<semaphore_mem>>)
    tpu.enqueue_dma source(%arg6 : memref<10000xi32, #tpu.memory_space<hbm>>) target(%arg9 : memref<10000xi32, #tpu.memory_space<vmem>>) target_semaphore(%arg20 : memref<!tpu.dma_semaphore, #tpu.memory_space<semaphore_mem>>)
    %scan3A = arith.constant 0 : i32
    %scan3A_4 = arith.constant 0 : i32
    %scan3A_5 = arith.constant 70 : i32
    %scan3A_6 = arith.addi %scan3A_4, %scan3A_5 : i32
    %scan3A_7 = arith.constant 1 : i32
    %scan3A_8 = scf.for %scan3A_163 = %scan3A_4 to %scan3A_6 step %scan3A_7 iter_args(%scan3A_164 = %scan3A) -> (i32)  : i32 {
      %mul3A_165 = arith.constant 8 : i32
      %mul3A_166 = arith.muli %scan3A_163, %mul3A_165 : i32
      %add3A_167 = arith.constant 0 : i32
      %add3A_168 = arith.addi %mul3A_166, %add3A_167 : i32
      %mul3A_169 = arith.constant 16 : i32
      %mul3A_170 = arith.muli %add3A_168, %mul3A_169 : i32
      %swap3A_171 = arith.index_cast %mul3A_170 : i32 to index
      %swap3A_172 = tpu.vector_load %arg17[%swap3A_171] {strides = array<i32>} : memref<9024xf32, #tpu.memory_space<vmem>>, vector<16xf32>,
      tpu.vector_store %arg17[%swap3A_171], %broadcast_in_dim3A_1 {strides = array<i32>} : memref<9024xf32, #tpu.memory_space<vmem>>, vector<16xf32>,
      %mul3A_173 = arith.constant 8 : i32
      %mul3A_174 = arith.muli %scan3A_163, %mul3A_173 : i32
      %add3A_175 = arith.constant 1 : i32
      %add3A_176 = arith.addi %mul3A_174, %add3A_175 : i32
      %mul3A_177 = arith.constant 16 : i32
      %mul3A_178 = arith.muli %add3A_176, %mul3A_177 : i32
      %swap3A_179 = arith.index_cast %mul3A_178 : i32 to index
      %swap3A_180 = tpu.vector_load %arg17[%swap3A_179] {strides = array<i32>} : memref<9024xf32, #tpu.memory_space<vmem>>, vector<16xf32>,
      tpu.vector_store %arg17[%swap3A_179], %broadcast_in_dim3A_1 {strides = array<i32>} : memref<9024xf32, #tpu.memory_space<vmem>>, vector<16xf32>,
      %mul3A_181 = arith.constant 8 : i32
      %mul3A_182 = arith.muli %scan3A_163, %mul3A_181 : i32
      %add3A_183 = arith.constant 2 : i32
      %add3A_184 = arith.addi %mul3A_182, %add3A_183 : i32
      %mul3A_185 = arith.constant 16 : i32
      %mul3A_186 = arith.muli %add3A_184, %mul3A_185 : i32
      %swap3A_187 = arith.index_cast %mul3A_186 : i32 to index
      %swap3A_188 = tpu.vector_load %arg17[%swap3A_187] {strides = array<i32>} : memref<9024xf32, #tpu.memory_space<vmem>>, vector<16xf32>,
      tpu.vector_store %arg17[%swap3A_187], %broadcast_in_dim3A_1 {strides = array<i32>} : memref<9024xf32, #tpu.memory_space<vmem>>, vector<16xf32>,
      %mul3A_189 = arith.constant 8 : i32
      %mul3A_190 = arith.muli %scan3A_163, %mul3A_189 : i32
      %add3A_191 = arith.constant 3 : i32
      %add3A_192 = arith.addi %mul3A_190, %add3A_191 : i32
      %mul3A_193 = arith.constant 16 : i32
      %mul3A_194 = arith.muli %add3A_192, %mul3A_193 : i32
      %swap3A_195 = arith.index_cast %mul3A_194 : i32 to index
      %swap3A_196 = tpu.vector_load %arg17[%swap3A_195] {strides = array<i32>} : memref<9024xf32, #tpu.memory_space<vmem>>, vector<16xf32>,
      tpu.vector_store %arg17[%swap3A_195], %broadcast_in_dim3A_1 {strides = array<i32>} : memref<9024xf32, #tpu.memory_space<vmem>>, vector<16xf32>,
      %mul3A_197 = arith.constant 8 : i32
      %mul3A_198 = arith.muli %scan3A_163, %mul3A_197 : i32
      %add3A_199 = arith.constant 4 : i32
      %add3A_200 = arith.addi %mul3A_198, %add3A_199 : i32
      %mul3A_201 = arith.constant 16 : i32
      %mul3A_202 = arith.muli %add3A_200, %mul3A_201 : i32
      %swap3A_203 = arith.index_cast %mul3A_202 : i32 to index
      %swap3A_204 = tpu.vector_load %arg17[%swap3A_203] {strides = array<i32>} : memref<9024xf32, #tpu.memory_space<vmem>>, vector<16xf32>,
      tpu.vector_store %arg17[%swap3A_203], %broadcast_in_dim3A_1 {strides = array<i32>} : memref<9024xf32, #tpu.memory_space<vmem>>, vector<16xf32>,
      %mul3A_205 = arith.constant 8 : i32
      %mul3A_206 = arith.muli %scan3A_163, %mul3A_205 : i32
      %add3A_207 = arith.constant 5 : i32
      %add3A_208 = arith.addi %mul3A_206, %add3A_207 : i32
      %mul3A_209 = arith.constant 16 : i32
      %mul3A_210 = arith.muli %add3A_208, %mul3A_209 : i32
      %swap3A_211 = arith.index_cast %mul3A_210 : i32 to index
      %swap3A_212 = tpu.vector_load %arg17[%swap3A_211] {strides = array<i32>} : memref<9024xf32, #tpu.memory_space<vmem>>, vector<16xf32>,
      tpu.vector_store %arg17[%swap3A_211], %broadcast_in_dim3A_1 {strides = array<i32>} : memref<9024xf32, #tpu.memory_space<vmem>>, vector<16xf32>,
      %mul3A_213 = arith.constant 8 : i32
      %mul3A_214 = arith.muli %scan3A_163, %mul3A_213 : i32
      %add3A_215 = arith.constant 6 : i32
      %add3A_216 = arith.addi %mul3A_214, %add3A_215 : i32
      %mul3A_217 = arith.constant 16 : i32
      %mul3A_218 = arith.muli %add3A_216, %mul3A_217 : i32
      %swap3A_219 = arith.index_cast %mul3A_218 : i32 to index
      %swap3A_220 = tpu.vector_load %arg17[%swap3A_219] {strides = array<i32>} : memref<9024xf32, #tpu.memory_space<vmem>>, vector<16xf32>,
      tpu.vector_store %arg17[%swap3A_219], %broadcast_in_dim3A_1 {strides = array<i32>} : memref<9024xf32, #tpu.memory_space<vmem>>, vector<16xf32>,
      %mul3A_221 = arith.constant 8 : i32
      %mul3A_222 = arith.muli %scan3A_163, %mul3A_221 : i32
      %add3A_223 = arith.constant 7 : i32
      %add3A_224 = arith.addi %mul3A_222, %add3A_223 : i32
      %mul3A_225 = arith.constant 16 : i32
      %mul3A_226 = arith.muli %add3A_224, %mul3A_225 : i32
      %swap3A_227 = arith.index_cast %mul3A_226 : i32 to index
      %swap3A_228 = tpu.vector_load %arg17[%swap3A_227] {strides = array<i32>} : memref<9024xf32, #tpu.memory_space<vmem>>, vector<16xf32>,
      tpu.vector_store %arg17[%swap3A_227], %broadcast_in_dim3A_1 {strides = array<i32>} : memref<9024xf32, #tpu.memory_space<vmem>>, vector<16xf32>,
      %scan3A_229 = arith.constant 0 : i32
      scf.yield %scan3A_229 : i32
    }
    %scan3A_9 = arith.constant 70 : i32
    %swap3A = arith.constant 8960 : index
    %swap3A_10 = tpu.vector_load %arg17[%swap3A] {strides = array<i32>} : memref<9024xf32, #tpu.memory_space<vmem>>, vector<16xf32>,
    tpu.vector_store %arg17[%swap3A], %broadcast_in_dim3A_1 {strides = array<i32>} : memref<9024xf32, #tpu.memory_space<vmem>>, vector<16xf32>,
    %swap3A_11 = arith.constant 8976 : index
    %swap3A_12 = tpu.vector_load %arg17[%swap3A_11] {strides = array<i32>} : memref<9024xf32, #tpu.memory_space<vmem>>, vector<16xf32>,
    tpu.vector_store %arg17[%swap3A_11], %broadcast_in_dim3A_1 {strides = array<i32>} : memref<9024xf32, #tpu.memory_space<vmem>>, vector<16xf32>,
    %swap3A_13 = arith.constant 8992 : index
    %swap3A_14 = tpu.vector_load %arg17[%swap3A_13] {strides = array<i32>} : memref<9024xf32, #tpu.memory_space<vmem>>, vector<16xf32>,
    tpu.vector_store %arg17[%swap3A_13], %broadcast_in_dim3A_1 {strides = array<i32>} : memref<9024xf32, #tpu.memory_space<vmem>>, vector<16xf32>,
    %swap3A_15 = arith.constant 9008 : index
    %swap3A_16 = tpu.vector_load %arg17[%swap3A_15] {strides = array<i32>} : memref<9024xf32, #tpu.memory_space<vmem>>, vector<16xf32>,
    tpu.vector_store %arg17[%swap3A_15], %broadcast_in_dim3A_1 {strides = array<i32>} : memref<9024xf32, #tpu.memory_space<vmem>>, vector<16xf32>,
    %mul3A_17 = arith.constant 10000 : i32
    %mul3A_18 = arith.muli %arg1, %mul3A_17 : i32
    %dma_start3A = arith.constant 0 : i32
    %dma_start3A_19 = tpu.memref_slice %arg17[%dma_start3A] : memref<9024xf32, #tpu.memory_space<vmem>> -> memref<5000xf32, #tpu.memory_space<vmem>>
    %dma_start3A_20 = tpu.memref_slice %arg24[%mul3A_18] : memref<160000xf32, #tpu.memory_space<vmem_shared>> -> memref<5000xf32, #tpu.memory_space<vmem_shared>>
    %dma_start3A_21 = tpu.memref_slice %arg24[%mul3A_18] : memref<160000xf32, #tpu.memory_space<vmem_shared>> -> memref<5000xf32, #tpu.memory_space<vmem_shared>>
    %dma_start3A_22 = arith.constant 0 : i32
    %dma_start3A_23 = tpu.memref_slice %arg17[%dma_start3A_22] : memref<9024xf32, #tpu.memory_space<vmem>> -> memref<5000xf32, #tpu.memory_space<vmem>>
    tpu.enqueue_dma source(%dma_start3A_23 : memref<5000xf32, #tpu.memory_space<vmem>>) target(%dma_start3A_21 : memref<5000xf32, #tpu.memory_space<vmem_shared>>) target_semaphore(%arg21 : memref<!tpu.dma_semaphore, #tpu.memory_space<semaphore_mem>>)
    %mul3A_24 = arith.constant 10000 : i32
    %mul3A_25 = arith.muli %arg1, %mul3A_24 : i32
    %add3A_26 = arith.constant 5000 : i32
    %add3A_27 = arith.addi %mul3A_25, %add3A_26 : i32
    %dma_start3A_28 = arith.constant 0 : i32
    %dma_start3A_29 = tpu.memref_slice %arg17[%dma_start3A_28] : memref<9024xf32, #tpu.memory_space<vmem>> -> memref<5000xf32, #tpu.memory_space<vmem>>
    %dma_start3A_30 = tpu.memref_slice %arg24[%add3A_27] : memref<160000xf32, #tpu.memory_space<vmem_shared>> -> memref<5000xf32, #tpu.memory_space<vmem_shared>>
    %dma_start3A_31 = tpu.memref_slice %arg24[%add3A_27] : memref<160000xf32, #tpu.memory_space<vmem_shared>> -> memref<5000xf32, #tpu.memory_space<vmem_shared>>
    %dma_start3A_32 = arith.constant 0 : i32
    %dma_start3A_33 = tpu.memref_slice %arg17[%dma_start3A_32] : memref<9024xf32, #tpu.memory_space<vmem>> -> memref<5000xf32, #tpu.memory_space<vmem>>
    tpu.enqueue_dma source(%dma_start3A_33 : memref<5000xf32, #tpu.memory_space<vmem>>) target(%dma_start3A_31 : memref<5000xf32, #tpu.memory_space<vmem_shared>>) target_semaphore(%arg21 : memref<!tpu.dma_semaphore, #tpu.memory_space<semaphore_mem>>)
    %mul3A_34 = arith.constant 9024 : i32
    %mul3A_35 = arith.muli %arg1, %mul3A_34 : i32
    %dma_start3A_36 = tpu.memref_slice %arg25[%mul3A_35] : memref<144384xf32, #tpu.memory_space<vmem_shared>> -> memref<9024xf32, #tpu.memory_space<vmem_shared>>
    %dma_start3A_37 = tpu.memref_slice %arg25[%mul3A_35] : memref<144384xf32, #tpu.memory_space<vmem_shared>> -> memref<9024xf32, #tpu.memory_space<vmem_shared>>
    tpu.enqueue_dma source(%arg17 : memref<9024xf32, #tpu.memory_space<vmem>>) target(%dma_start3A_37 : memref<9024xf32, #tpu.memory_space<vmem_shared>>) target_semaphore(%arg21 : memref<!tpu.dma_semaphore, #tpu.memory_space<semaphore_mem>>)
    %scan3A_38 = arith.constant 0 : i32
    %scan3A_39 = arith.constant 0 : i32
    %scan3A_40 = arith.constant 20 : i32
    %scan3A_41 = arith.addi %scan3A_39, %scan3A_40 : i32
    %scan3A_42 = arith.constant 1 : i32
    %scan3A_43 = scf.for %scan3A_163 = %scan3A_39 to %scan3A_41 step %scan3A_42 iter_args(%scan3A_164 = %scan3A_38) -> (i32)  : i32 {
      %mul3A_165 = arith.constant 16 : i32
      %mul3A_166 = arith.muli %scan3A_163, %mul3A_165 : i32
      %swap3A_167 = arith.index_cast %mul3A_166 : i32 to index
      %swap3A_168 = tpu.vector_load %arg19[%swap3A_167] {strides = array<i32>} : memref<320xf32, #tpu.memory_space<vmem>>, vector<16xf32>,
      tpu.vector_store %arg19[%swap3A_167], %broadcast_in_dim3A_3 {strides = array<i32>} : memref<320xf32, #tpu.memory_space<vmem>>, vector<16xf32>,
      %scan3A_169 = arith.constant 0 : i32
      scf.yield %scan3A_169 : i32
    }
    %scan3A_44 = arith.constant 20 : i32
    %dma_wait3A = arith.constant 0 : i32
    %dma_wait3A_45 = tpu.memref_slice %arg17[%dma_wait3A] : memref<9024xf32, #tpu.memory_space<vmem>> -> memref<5000xf32, #tpu.memory_space<vmem>>
    %dma_wait3A_46 = tpu.memref_slice %arg24[%mul3A_18] : memref<160000xf32, #tpu.memory_space<vmem_shared>> -> memref<5000xf32, #tpu.memory_space<vmem_shared>>
    %dma_wait3A_47 = tpu.memref_slice %arg24[%mul3A_18] : memref<160000xf32, #tpu.memory_space<vmem_shared>> -> memref<5000xf32, #tpu.memory_space<vmem_shared>>
    %dma_wait3A_48 = arith.constant 0 : i32
    %dma_wait3A_49 = tpu.memref_slice %arg17[%dma_wait3A_48] : memref<9024xf32, #tpu.memory_space<vmem>> -> memref<5000xf32, #tpu.memory_space<vmem>>
    tpu.wait_dma2 semaphore(%arg21 : memref<!tpu.dma_semaphore, #tpu.memory_space<semaphore_mem>>) src(%dma_wait3A_49 : memref<5000xf32, #tpu.memory_space<vmem>>) dst(%dma_wait3A_47 : memref<5000xf32, #tpu.memory_space<vmem_shared>>)
    %dma_wait3A_50 = arith.constant 0 : i32
    %dma_wait3A_51 = tpu.memref_slice %arg17[%dma_wait3A_50] : memref<9024xf32, #tpu.memory_space<vmem>> -> memref<5000xf32, #tpu.memory_space<vmem>>
    %dma_wait3A_52 = tpu.memref_slice %arg24[%add3A_27] : memref<160000xf32, #tpu.memory_space<vmem_shared>> -> memref<5000xf32, #tpu.memory_space<vmem_shared>>
    %dma_wait3A_53 = tpu.memref_slice %arg24[%add3A_27] : memref<160000xf32, #tpu.memory_space<vmem_shared>> -> memref<5000xf32, #tpu.memory_space<vmem_shared>>
    %dma_wait3A_54 = arith.constant 0 : i32
    %dma_wait3A_55 = tpu.memref_slice %arg17[%dma_wait3A_54] : memref<9024xf32, #tpu.memory_space<vmem>> -> memref<5000xf32, #tpu.memory_space<vmem>>
    tpu.wait_dma2 semaphore(%arg21 : memref<!tpu.dma_semaphore, #tpu.memory_space<semaphore_mem>>) src(%dma_wait3A_55 : memref<5000xf32, #tpu.memory_space<vmem>>) dst(%dma_wait3A_53 : memref<5000xf32, #tpu.memory_space<vmem_shared>>)
    %dma_wait3A_56 = tpu.memref_slice %arg25[%mul3A_35] : memref<144384xf32, #tpu.memory_space<vmem_shared>> -> memref<9024xf32, #tpu.memory_space<vmem_shared>>
    %dma_wait3A_57 = tpu.memref_slice %arg25[%mul3A_35] : memref<144384xf32, #tpu.memory_space<vmem_shared>> -> memref<9024xf32, #tpu.memory_space<vmem_shared>>
    tpu.wait_dma2 semaphore(%arg21 : memref<!tpu.dma_semaphore, #tpu.memory_space<semaphore_mem>>) src(%arg17 : memref<9024xf32, #tpu.memory_space<vmem>>) dst(%dma_wait3A_57 : memref<9024xf32, #tpu.memory_space<vmem_shared>>)
    %scan3A_58 = arith.constant 0 : i32
    %scan3A_59 = arith.constant 0 : i32
    %scan3A_60 = arith.constant 78 : i32
    %scan3A_61 = arith.addi %scan3A_59, %scan3A_60 : i32
    %scan3A_62 = arith.constant 1 : i32
    %scan3A_63 = scf.for %scan3A_163 = %scan3A_59 to %scan3A_61 step %scan3A_62 iter_args(%scan3A_164 = %scan3A_58) -> (i32)  : i32 {
      %mul3A_165 = arith.constant 8 : i32
      %mul3A_166 = arith.muli %scan3A_163, %mul3A_165 : i32
      %add3A_167 = arith.constant 0 : i32
      %add3A_168 = arith.addi %mul3A_166, %add3A_167 : i32
      %mul3A_169 = arith.constant 16 : i32
      %mul3A_170 = arith.muli %add3A_168, %mul3A_169 : i32
      %swap3A_171 = arith.index_cast %mul3A_170 : i32 to index
      %swap3A_172 = tpu.vector_load %arg16[%swap3A_171] {strides = array<i32>} : memref<10000xf32, #tpu.memory_space<vmem>>, vector<16xf32>,
      tpu.vector_store %arg16[%swap3A_171], %broadcast_in_dim3A_3 {strides = array<i32>} : memref<10000xf32, #tpu.memory_space<vmem>>, vector<16xf32>,
      %mul3A_173 = arith.constant 8 : i32
      %mul3A_174 = arith.muli %scan3A_163, %mul3A_173 : i32
      %add3A_175 = arith.constant 1 : i32
      %add3A_176 = arith.addi %mul3A_174, %add3A_175 : i32
      %mul3A_177 = arith.constant 16 : i32
      %mul3A_178 = arith.muli %add3A_176, %mul3A_177 : i32
      %swap3A_179 = arith.index_cast %mul3A_178 : i32 to index
      %swap3A_180 = tpu.vector_load %arg16[%swap3A_179] {strides = array<i32>} : memref<10000xf32, #tpu.memory_space<vmem>>, vector<16xf32>,
      tpu.vector_store %arg16[%swap3A_179], %broadcast_in_dim3A_3 {strides = array<i32>} : memref<10000xf32, #tpu.memory_space<vmem>>, vector<16xf32>,
      %mul3A_181 = arith.constant 8 : i32
      %mul3A_182 = arith.muli %scan3A_163, %mul3A_181 : i32
      %add3A_183 = arith.constant 2 : i32
      %add3A_184 = arith.addi %mul3A_182, %add3A_183 : i32
      %mul3A_185 = arith.constant 16 : i32
      %mul3A_186 = arith.muli %add3A_184, %mul3A_185 : i32
      %swap3A_187 = arith.index_cast %mul3A_186 : i32 to index
      %swap3A_188 = tpu.vector_load %arg16[%swap3A_187] {strides = array<i32>} : memref<10000xf32, #tpu.memory_space<vmem>>, vector<16xf32>,
      tpu.vector_store %arg16[%swap3A_187], %broadcast_in_dim3A_3 {strides = array<i32>} : memref<10000xf32, #tpu.memory_space<vmem>>, vector<16xf32>,
      %mul3A_189 = arith.constant 8 : i32
      %mul3A_190 = arith.muli %scan3A_163, %mul3A_189 : i32
      %add3A_191 = arith.constant 3 : i32
      %add3A_192 = arith.addi %mul3A_190, %add3A_191 : i32
      %mul3A_193 = arith.constant 16 : i32
      %mul3A_194 = arith.muli %add3A_192, %mul3A_193 : i32
      %swap3A_195 = arith.index_cast %mul3A_194 : i32 to index
      %swap3A_196 = tpu.vector_load %arg16[%swap3A_195] {strides = array<i32>} : memref<10000xf32, #tpu.memory_space<vmem>>, vector<16xf32>,
      tpu.vector_store %arg16[%swap3A_195], %broadcast_in_dim3A_3 {strides = array<i32>} : memref<10000xf32, #tpu.memory_space<vmem>>, vector<16xf32>,
      %mul3A_197 = arith.constant 8 : i32
      %mul3A_198 = arith.muli %scan3A_163, %mul3A_197 : i32
      %add3A_199 = arith.constant 4 : i32
      %add3A_200 = arith.addi %mul3A_198, %add3A_199 : i32
      %mul3A_201 = arith.constant 16 : i32
      %mul3A_202 = arith.muli %add3A_200, %mul3A_201 : i32
      %swap3A_203 = arith.index_cast %mul3A_202 : i32 to index
      %swap3A_204 = tpu.vector_load %arg16[%swap3A_203] {strides = array<i32>} : memref<10000xf32, #tpu.memory_space<vmem>>, vector<16xf32>,
      tpu.vector_store %arg16[%swap3A_203], %broadcast_in_dim3A_3 {strides = array<i32>} : memref<10000xf32, #tpu.memory_space<vmem>>, vector<16xf32>,
      %mul3A_205 = arith.constant 8 : i32
      %mul3A_206 = arith.muli %scan3A_163, %mul3A_205 : i32
      %add3A_207 = arith.constant 5 : i32
      %add3A_208 = arith.addi %mul3A_206, %add3A_207 : i32
      %mul3A_209 = arith.constant 16 : i32
      %mul3A_210 = arith.muli %add3A_208, %mul3A_209 : i32
      %swap3A_211 = arith.index_cast %mul3A_210 : i32 to index
      %swap3A_212 = tpu.vector_load %arg16[%swap3A_211] {strides = array<i32>} : memref<10000xf32, #tpu.memory_space<vmem>>, vector<16xf32>,
      tpu.vector_store %arg16[%swap3A_211], %broadcast_in_dim3A_3 {strides = array<i32>} : memref<10000xf32, #tpu.memory_space<vmem>>, vector<16xf32>,
      %mul3A_213 = arith.constant 8 : i32
      %mul3A_214 = arith.muli %scan3A_163, %mul3A_213 : i32
      %add3A_215 = arith.constant 6 : i32
      %add3A_216 = arith.addi %mul3A_214, %add3A_215 : i32
      %mul3A_217 = arith.constant 16 : i32
      %mul3A_218 = arith.muli %add3A_216, %mul3A_217 : i32
      %swap3A_219 = arith.index_cast %mul3A_218 : i32 to index
      %swap3A_220 = tpu.vector_load %arg16[%swap3A_219] {strides = array<i32>} : memref<10000xf32, #tpu.memory_space<vmem>>, vector<16xf32>,
      tpu.vector_store %arg16[%swap3A_219], %broadcast_in_dim3A_3 {strides = array<i32>} : memref<10000xf32, #tpu.memory_space<vmem>>, vector<16xf32>,
      %mul3A_221 = arith.constant 8 : i32
      %mul3A_222 = arith.muli %scan3A_163, %mul3A_221 : i32
      %add3A_223 = arith.constant 7 : i32
      %add3A_224 = arith.addi %mul3A_222, %add3A_223 : i32
      %mul3A_225 = arith.constant 16 : i32
      %mul3A_226 = arith.muli %add3A_224, %mul3A_225 : i32
      %swap3A_227 = arith.index_cast %mul3A_226 : i32 to index
      %swap3A_228 = tpu.vector_load %arg16[%swap3A_227] {strides = array<i32>} : memref<10000xf32, #tpu.memory_space<vmem>>, vector<16xf32>,
      tpu.vector_store %arg16[%swap3A_227], %broadcast_in_dim3A_3 {strides = array<i32>} : memref<10000xf32, #tpu.memory_space<vmem>>, vector<16xf32>,
      %scan3A_229 = arith.constant 0 : i32
      scf.yield %scan3A_229 : i32
    }
    %scan3A_64 = arith.constant 78 : i32
    %swap3A_65 = arith.constant 9984 : index
    %swap3A_66 = tpu.vector_load %arg16[%swap3A_65] {strides = array<i32>} : memref<10000xf32, #tpu.memory_space<vmem>>, vector<16xf32>,
    tpu.vector_store %arg16[%swap3A_65], %broadcast_in_dim3A_3 {strides = array<i32>} : memref<10000xf32, #tpu.memory_space<vmem>>, vector<16xf32>,
    %mul3A_67 = arith.constant 10000 : i32
    %mul3A_68 = arith.muli %add3A, %mul3A_67 : i32
    %dma_start3A_69 = tpu.memref_slice %arg2[%mul3A_68] : memref<320000xi32, #tpu.memory_space<hbm>> -> memref<10000xi32, #tpu.memory_space<hbm>>
    %dma_start3A_70 = tpu.memref_slice %arg2[%mul3A_68] : memref<320000xi32, #tpu.memory_space<hbm>> -> memref<10000xi32, #tpu.memory_space<hbm>>
    tpu.enqueue_dma source(%dma_start3A_70 : memref<10000xi32, #tpu.memory_space<hbm>>) target(%arg10 : memref<10000xi32, #tpu.memory_space<vmem>>) target_semaphore(%arg22 : memref<!tpu.dma_semaphore, #tpu.memory_space<semaphore_mem>>)
    %dma_start3A_71 = tpu.memref_slice %arg3[%mul3A_68] : memref<320000xi32, #tpu.memory_space<hbm>> -> memref<10000xi32, #tpu.memory_space<hbm>>
    %dma_start3A_72 = tpu.memref_slice %arg3[%mul3A_68] : memref<320000xi32, #tpu.memory_space<hbm>> -> memref<10000xi32, #tpu.memory_space<hbm>>
    tpu.enqueue_dma source(%dma_start3A_72 : memref<10000xi32, #tpu.memory_space<hbm>>) target(%arg15 : memref<10000xi32, #tpu.memory_space<vmem>>) target_semaphore(%arg22 : memref<!tpu.dma_semaphore, #tpu.memory_space<semaphore_mem>>)
    %dma_start3A_73 = tpu.memref_slice %arg4[%mul3A_68] : memref<320000xi32, #tpu.memory_space<hbm>> -> memref<10000xi32, #tpu.memory_space<hbm>>
    %dma_start3A_74 = tpu.memref_slice %arg4[%mul3A_68] : memref<320000xi32, #tpu.memory_space<hbm>> -> memref<10000xi32, #tpu.memory_space<hbm>>
    tpu.enqueue_dma source(%dma_start3A_74 : memref<10000xi32, #tpu.memory_space<hbm>>) target(%arg14 : memref<10000xi32, #tpu.memory_space<vmem>>) target_semaphore(%arg22 : memref<!tpu.dma_semaphore, #tpu.memory_space<semaphore_mem>>)
    tpu.wait_dma2 semaphore(%arg20 : memref<!tpu.dma_semaphore, #tpu.memory_space<semaphore_mem>>) src(%arg5 : memref<10000xi32, #tpu.memory_space<hbm>>) dst(%arg8 : memref<10000xi32, #tpu.memory_space<vmem>>)
    tpu.wait_dma2 semaphore(%arg20 : memref<!tpu.dma_semaphore, #tpu.memory_space<semaphore_mem>>) src(%arg6 : memref<10000xi32, #tpu.memory_space<hbm>>) dst(%arg9 : memref<10000xi32, #tpu.memory_space<vmem>>)
    "tpu.trace_stop"() : () -> ()
    %barrier3A = arith.constant 0 : index
    tpu.barrier barrier_id(%barrier3A)
    "tpu.trace_start"() <{level = 10 : i32, message = "sc_counts"}> : () -> ()
    %mul3A_75 = arith.constant 20000 : i32
    %mul3A_76 = arith.muli %arg1, %mul3A_75 : i32
    %dma_start3A_77 = tpu.memref_slice %arg3[%mul3A_76] : memref<320000xi32, #tpu.memory_space<hbm>> -> memref<10000xi32, #tpu.memory_space<hbm>>
    %dma_start3A_78 = tpu.memref_slice %arg3[%mul3A_76] : memref<320000xi32, #tpu.memory_space<hbm>> -> memref<10000xi32, #tpu.memory_space<hbm>>
    tpu.enqueue_dma source(%dma_start3A_78 : memref<10000xi32, #tpu.memory_space<hbm>>) target(%arg12 : memref<10000xi32, #tpu.memory_space<vmem>>) target_semaphore(%arg20 : memref<!tpu.dma_semaphore, #tpu.memory_space<semaphore_mem>>)
    %dma_start3A_79 = tpu.memref_slice %arg4[%mul3A_76] : memref<320000xi32, #tpu.memory_space<hbm>> -> memref<10000xi32, #tpu.memory_space<hbm>>
    %dma_start3A_80 = tpu.memref_slice %arg4[%mul3A_76] : memref<320000xi32, #tpu.memory_space<hbm>> -> memref<10000xi32, #tpu.memory_space<hbm>>
    tpu.enqueue_dma source(%dma_start3A_80 : memref<10000xi32, #tpu.memory_space<hbm>>) target(%arg11 : memref<10000xi32, #tpu.memory_space<vmem>>) target_semaphore(%arg20 : memref<!tpu.dma_semaphore, #tpu.memory_space<semaphore_mem>>)
    %dma_wait3A_81 = tpu.memref_slice %arg3[%mul3A_76] : memref<320000xi32, #tpu.memory_space<hbm>> -> memref<10000xi32, #tpu.memory_space<hbm>>
    %dma_wait3A_82 = tpu.memref_slice %arg3[%mul3A_76] : memref<320000xi32, #tpu.memory_space<hbm>> -> memref<10000xi32, #tpu.memory_space<hbm>>
    tpu.wait_dma2 semaphore(%arg20 : memref<!tpu.dma_semaphore, #tpu.memory_space<semaphore_mem>>) src(%dma_wait3A_82 : memref<10000xi32, #tpu.memory_space<hbm>>) dst(%arg12 : memref<10000xi32, #tpu.memory_space<vmem>>)
    %dma_wait3A_83 = tpu.memref_slice %arg4[%mul3A_76] : memref<320000xi32, #tpu.memory_space<hbm>> -> memref<10000xi32, #tpu.memory_space<hbm>>
    %dma_wait3A_84 = tpu.memref_slice %arg4[%mul3A_76] : memref<320000xi32, #tpu.memory_space<hbm>> -> memref<10000xi32, #tpu.memory_space<hbm>>
    tpu.wait_dma2 semaphore(%arg20 : memref<!tpu.dma_semaphore, #tpu.memory_space<semaphore_mem>>) src(%dma_wait3A_84 : memref<10000xi32, #tpu.memory_space<hbm>>) dst(%arg11 : memref<10000xi32, #tpu.memory_space<vmem>>)
    %scan3A_85 = arith.constant 0 : i32
    %scan3A_86 = arith.constant 0 : i32
    %scan3A_87 = arith.constant 625 : i32
    %scan3A_88 = arith.addi %scan3A_86, %scan3A_87 : i32
    %scan3A_89 = arith.constant 1 : i32
    %scan3A_90 = scf.for %scan3A_163 = %scan3A_86 to %scan3A_88 step %scan3A_89 iter_args(%scan3A_164 = %scan3A_85) -> (i32)  : i32 {
      %mul3A_165 = arith.constant 16 : i32
      %mul3A_166 = arith.muli %scan3A_163, %mul3A_165 : i32
      %get3A = arith.index_cast %mul3A_166 : i32 to index
      %get3A_167 = tpu.vector_load %arg12[%get3A] {strides = array<i32>} : memref<10000xi32, #tpu.memory_space<vmem>>, vector<16xi32>,
      %mul3A_168 = arith.constant 16 : i32
      %mul3A_169 = vector.broadcast %mul3A_168 : i32 to vector<16xi32>
      %mul3A_170 = arith.muli %get3A_167, %mul3A_169 : vector<16xi32>
      %get3A_171 = arith.index_cast %mul3A_166 : i32 to index
      %get3A_172 = tpu.vector_load %arg11[%get3A_171] {strides = array<i32>} : memref<10000xi32, #tpu.memory_space<vmem>>, vector<16xi32>,
      %add3A_173 = arith.addi %mul3A_170, %get3A_172 : vector<16xi32>
      %swap3A_174 = arith.index_cast %mul3A_166 : i32 to index
      %swap3A_175 = tpu.vector_load %arg13[%swap3A_174] {strides = array<i32>} : memref<10000xi32, #tpu.memory_space<vmem>>, vector<16xi32>,
      tpu.vector_store %arg13[%swap3A_174], %add3A_173 {strides = array<i32>} : memref<10000xi32, #tpu.memory_space<vmem>>, vector<16xi32>,
      %scan3A_176 = arith.constant 0 : i32
      scf.yield %scan3A_176 : i32
    }
    %scan3A_91 = arith.constant 625 : i32
    %dma_start3A_92 = arith.constant 0 : i32
    %dma_start3A_93 = tpu.memref_slice %arg24[%dma_start3A_92] : memref<160000xf32, #tpu.memory_space<vmem_shared>> -> memref<160000xf32, #tpu.memory_space<vmem_shared>>
    tpu.enqueue_indirect_dma source(%arg16 : memref<10000xf32, #tpu.memory_space<vmem>>) target(%dma_start3A_93 : memref<160000xf32, #tpu.memory_space<vmem_shared>>) offsets(%arg13 : memref<10000xi32, #tpu.memory_space<vmem>>) semaphore(%arg23 : memref<!tpu.dma_semaphore, #tpu.memory_space<semaphore_mem>>) {add = true}
    %add3A_94 = arith.constant 10000 : i32
    %add3A_95 = arith.addi %mul3A_76, %add3A_94 : i32
    %dma_start3A_96 = tpu.memref_slice %arg3[%add3A_95] : memref<320000xi32, #tpu.memory_space<hbm>> -> memref<10000xi32, #tpu.memory_space<hbm>>
    %dma_start3A_97 = tpu.memref_slice %arg3[%add3A_95] : memref<320000xi32, #tpu.memory_space<hbm>> -> memref<10000xi32, #tpu.memory_space<hbm>>
    tpu.enqueue_dma source(%dma_start3A_97 : memref<10000xi32, #tpu.memory_space<hbm>>) target(%arg12 : memref<10000xi32, #tpu.memory_space<vmem>>) target_semaphore(%arg20 : memref<!tpu.dma_semaphore, #tpu.memory_space<semaphore_mem>>)
    %dma_start3A_98 = tpu.memref_slice %arg4[%add3A_95] : memref<320000xi32, #tpu.memory_space<hbm>> -> memref<10000xi32, #tpu.memory_space<hbm>>
    %dma_start3A_99 = tpu.memref_slice %arg4[%add3A_95] : memref<320000xi32, #tpu.memory_space<hbm>> -> memref<10000xi32, #tpu.memory_space<hbm>>
    tpu.enqueue_dma source(%dma_start3A_99 : memref<10000xi32, #tpu.memory_space<hbm>>) target(%arg11 : memref<10000xi32, #tpu.memory_space<vmem>>) target_semaphore(%arg20 : memref<!tpu.dma_semaphore, #tpu.memory_space<semaphore_mem>>)
    %dma_wait3A_100 = tpu.memref_slice %arg3[%add3A_95] : memref<320000xi32, #tpu.memory_space<hbm>> -> memref<10000xi32, #tpu.memory_space<hbm>>
    %dma_wait3A_101 = tpu.memref_slice %arg3[%add3A_95] : memref<320000xi32, #tpu.memory_space<hbm>> -> memref<10000xi32, #tpu.memory_space<hbm>>
    tpu.wait_dma2 semaphore(%arg20 : memref<!tpu.dma_semaphore, #tpu.memory_space<semaphore_mem>>) src(%dma_wait3A_101 : memref<10000xi32, #tpu.memory_space<hbm>>) dst(%arg12 : memref<10000xi32, #tpu.memory_space<vmem>>)
    %dma_wait3A_102 = tpu.memref_slice %arg4[%add3A_95] : memref<320000xi32, #tpu.memory_space<hbm>> -> memref<10000xi32, #tpu.memory_space<hbm>>
    %dma_wait3A_103 = tpu.memref_slice %arg4[%add3A_95] : memref<320000xi32, #tpu.memory_space<hbm>> -> memref<10000xi32, #tpu.memory_space<hbm>>
    tpu.wait_dma2 semaphore(%arg20 : memref<!tpu.dma_semaphore, #tpu.memory_space<semaphore_mem>>) src(%dma_wait3A_103 : memref<10000xi32, #tpu.memory_space<hbm>>) dst(%arg11 : memref<10000xi32, #tpu.memory_space<vmem>>)
    %dma_wait3A_104 = arith.constant 0 : i32
    %dma_wait3A_105 = tpu.memref_slice %arg24[%dma_wait3A_104] : memref<160000xf32, #tpu.memory_space<vmem_shared>> -> memref<160000xf32, #tpu.memory_space<vmem_shared>>
    tpu.wait_indirect_dma semaphore(%arg23 : memref<!tpu.dma_semaphore, #tpu.memory_space<semaphore_mem>>) src(%arg16 : memref<10000xf32, #tpu.memory_space<vmem>>) dst(%dma_wait3A_105 : memref<160000xf32, #tpu.memory_space<vmem_shared>>)
    %scan3A_106 = arith.constant 0 : i32
    %scan3A_107 = arith.constant 0 : i32
    %scan3A_108 = arith.constant 625 : i32
    %scan3A_109 = arith.addi %scan3A_107, %scan3A_108 : i32
    %scan3A_110 = arith.constant 1 : i32
    %scan3A_111 = scf.for %scan3A_163 = %scan3A_107 to %scan3A_109 step %scan3A_110 iter_args(%scan3A_164 = %scan3A_106) -> (i32)  : i32 {
      %mul3A_165 = arith.constant 16 : i32
      %mul3A_166 = arith.muli %scan3A_163, %mul3A_165 : i32
      %get3A = arith.index_cast %mul3A_166 : i32 to index
      %get3A_167 = tpu.vector_load %arg12[%get3A] {strides = array<i32>} : memref<10000xi32, #tpu.memory_space<vmem>>, vector<16xi32>,
      %mul3A_168 = arith.constant 16 : i32
      %mul3A_169 = vector.broadcast %mul3A_168 : i32 to vector<16xi32>
      %mul3A_170 = arith.muli %get3A_167, %mul3A_169 : vector<16xi32>
      %get3A_171 = arith.index_cast %mul3A_166 : i32 to index
      %get3A_172 = tpu.vector_load %arg11[%get3A_171] {strides = array<i32>} : memref<10000xi32, #tpu.memory_space<vmem>>, vector<16xi32>,
      %add3A_173 = arith.addi %mul3A_170, %get3A_172 : vector<16xi32>
      %swap3A_174 = arith.index_cast %mul3A_166 : i32 to index
      %swap3A_175 = tpu.vector_load %arg13[%swap3A_174] {strides = array<i32>} : memref<10000xi32, #tpu.memory_space<vmem>>, vector<16xi32>,
      tpu.vector_store %arg13[%swap3A_174], %add3A_173 {strides = array<i32>} : memref<10000xi32, #tpu.memory_space<vmem>>, vector<16xi32>,
      %scan3A_176 = arith.constant 0 : i32
      scf.yield %scan3A_176 : i32
    }
    %scan3A_112 = arith.constant 625 : i32
    %dma_start3A_113 = arith.constant 0 : i32
    %dma_start3A_114 = tpu.memref_slice %arg24[%dma_start3A_113] : memref<160000xf32, #tpu.memory_space<vmem_shared>> -> memref<160000xf32, #tpu.memory_space<vmem_shared>>
    tpu.enqueue_indirect_dma source(%arg16 : memref<10000xf32, #tpu.memory_space<vmem>>) target(%dma_start3A_114 : memref<160000xf32, #tpu.memory_space<vmem_shared>>) offsets(%arg13 : memref<10000xi32, #tpu.memory_space<vmem>>) semaphore(%arg23 : memref<!tpu.dma_semaphore, #tpu.memory_space<semaphore_mem>>) {add = true}
    %dma_wait3A_115 = arith.constant 0 : i32
    %dma_wait3A_116 = tpu.memref_slice %arg24[%dma_wait3A_115] : memref<160000xf32, #tpu.memory_space<vmem_shared>> -> memref<160000xf32, #tpu.memory_space<vmem_shared>>
    tpu.wait_indirect_dma semaphore(%arg23 : memref<!tpu.dma_semaphore, #tpu.memory_space<semaphore_mem>>) src(%arg16 : memref<10000xf32, #tpu.memory_space<vmem>>) dst(%dma_wait3A_116 : memref<160000xf32, #tpu.memory_space<vmem_shared>>)
    "tpu.trace_stop"() : () -> ()
    %barrier3A_117 = arith.constant 0 : index
    tpu.barrier barrier_id(%barrier3A_117)
    "tpu.trace_start"() <{level = 10 : i32, message = "sc_hist"}> : () -> ()
    %dma_wait3A_118 = tpu.memref_slice %arg2[%mul3A_68] : memref<320000xi32, #tpu.memory_space<hbm>> -> memref<10000xi32, #tpu.memory_space<hbm>>
    %dma_wait3A_119 = tpu.memref_slice %arg2[%mul3A_68] : memref<320000xi32, #tpu.memory_space<hbm>> -> memref<10000xi32, #tpu.memory_space<hbm>>
    tpu.wait_dma2 semaphore(%arg22 : memref<!tpu.dma_semaphore, #tpu.memory_space<semaphore_mem>>) src(%dma_wait3A_119 : memref<10000xi32, #tpu.memory_space<hbm>>) dst(%arg10 : memref<10000xi32, #tpu.memory_space<vmem>>)
    %dma_wait3A_120 = tpu.memref_slice %arg3[%mul3A_68] : memref<320000xi32, #tpu.memory_space<hbm>> -> memref<10000xi32, #tpu.memory_space<hbm>>
    %dma_wait3A_121 = tpu.memref_slice %arg3[%mul3A_68] : memref<320000xi32, #tpu.memory_space<hbm>> -> memref<10000xi32, #tpu.memory_space<hbm>>
    tpu.wait_dma2 semaphore(%arg22 : memref<!tpu.dma_semaphore, #tpu.memory_space<semaphore_mem>>) src(%dma_wait3A_121 : memref<10000xi32, #tpu.memory_space<hbm>>) dst(%arg15 : memref<10000xi32, #tpu.memory_space<vmem>>)
    %dma_wait3A_122 = tpu.memref_slice %arg4[%mul3A_68] : memref<320000xi32, #tpu.memory_space<hbm>> -> memref<10000xi32, #tpu.memory_space<hbm>>
    %dma_wait3A_123 = tpu.memref_slice %arg4[%mul3A_68] : memref<320000xi32, #tpu.memory_space<hbm>> -> memref<10000xi32, #tpu.memory_space<hbm>>
    tpu.wait_dma2 semaphore(%arg22 : memref<!tpu.dma_semaphore, #tpu.memory_space<semaphore_mem>>) src(%dma_wait3A_123 : memref<10000xi32, #tpu.memory_space<hbm>>) dst(%arg14 : memref<10000xi32, #tpu.memory_space<vmem>>)
    %scan3A_124 = arith.constant 0 : i32
    %scan3A_125 = arith.constant 0 : i32
    %scan3A_126 = arith.constant 625 : i32
    %scan3A_127 = arith.addi %scan3A_125, %scan3A_126 : i32
    %scan3A_128 = arith.constant 1 : i32
    %scan3A_129 = scf.for %scan3A_163 = %scan3A_125 to %scan3A_127 step %scan3A_128 iter_args(%scan3A_164 = %scan3A_124) -> (i32)  : i32 {
      %mul3A_165 = arith.constant 16 : i32
      %mul3A_166 = arith.muli %scan3A_163, %mul3A_165 : i32
      %get3A = arith.index_cast %mul3A_166 : i32 to index
      %get3A_167 = tpu.vector_load %arg10[%get3A] {strides = array<i32>} : memref<10000xi32, #tpu.memory_space<vmem>>, vector<16xi32>,
      %get3A_168 = arith.index_cast %mul3A_166 : i32 to index
      %get3A_169 = tpu.vector_load %arg15[%get3A_168] {strides = array<i32>} : memref<10000xi32, #tpu.memory_space<vmem>>, vector<16xi32>,
      %get3A_170 = arith.index_cast %mul3A_166 : i32 to index
      %get3A_171 = tpu.vector_load %arg14[%get3A_170] {strides = array<i32>} : memref<10000xi32, #tpu.memory_space<vmem>>, vector<16xi32>,
      %mul3A_172 = arith.constant 16 : i32
      %mul3A_173 = vector.broadcast %mul3A_172 : i32 to vector<16xi32>
      %mul3A_174 = arith.muli %get3A_169, %mul3A_173 : vector<16xi32>
      %add3A_175 = arith.addi %mul3A_174, %get3A_171 : vector<16xi32>
      %swap3A_176 = arith.index_cast %mul3A_166 : i32 to index
      %swap3A_177 = tpu.vector_load %arg13[%swap3A_176] {strides = array<i32>} : memref<10000xi32, #tpu.memory_space<vmem>>, vector<16xi32>,
      tpu.vector_store %arg13[%swap3A_176], %add3A_175 {strides = array<i32>} : memref<10000xi32, #tpu.memory_space<vmem>>, vector<16xi32>,
      %gather3A = tpu.vector_load_idx %arg8[%get3A_167] : memref<10000xi32, #tpu.memory_space<vmem>>[vector<16xi32>], vector<16xi32>,
      %gather3A_178 = tpu.vector_load_idx %arg9[%get3A_169] : memref<10000xi32, #tpu.memory_space<vmem>>[vector<16xi32>], vector<16xi32>,
      %mul3A_179 = arith.constant 564 : i32
      %mul3A_180 = vector.broadcast %mul3A_179 : i32 to vector<16xi32>
      %mul3A_181 = arith.muli %gather3A_178, %mul3A_180 : vector<16xi32>
      %mul3A_182 = arith.constant 33 : i32
      %mul3A_183 = vector.broadcast %mul3A_182 : i32 to vector<16xi32>
      %mul3A_184 = arith.muli %get3A_171, %mul3A_183 : vector<16xi32>
      %add3A_185 = arith.addi %mul3A_181, %mul3A_184 : vector<16xi32>
      %add3A_186 = arith.addi %add3A_185, %gather3A : vector<16xi32>
      %swap3A_187 = arith.index_cast %mul3A_166 : i32 to index
      %swap3A_188 = tpu.vector_load %arg12[%swap3A_187] {strides = array<i32>} : memref<10000xi32, #tpu.memory_space<vmem>>, vector<16xi32>,
      tpu.vector_store %arg12[%swap3A_187], %add3A_186 {strides = array<i32>} : memref<10000xi32, #tpu.memory_space<vmem>>, vector<16xi32>,
      %scan3A_189 = arith.constant 0 : i32
      scf.yield %scan3A_189 : i32
    }
    %scan3A_130 = arith.constant 625 : i32
    "tpu.region"() ({
      %run_scoped3A = tpu.sem_alloc : memref<!tpu.dma_semaphore, #tpu.memory_space<semaphore_mem>>
      %dma_start3A_163 = arith.constant 0 : i32
      %dma_start3A_164 = tpu.memref_slice %arg24[%dma_start3A_163] : memref<160000xf32, #tpu.memory_space<vmem_shared>> -> memref<160000xf32, #tpu.memory_space<vmem_shared>>
      tpu.enqueue_indirect_dma source(%dma_start3A_164 : memref<160000xf32, #tpu.memory_space<vmem_shared>>) target(%arg16 : memref<10000xf32, #tpu.memory_space<vmem>>) offsets(%arg13 : memref<10000xi32, #tpu.memory_space<vmem>>) semaphore(%run_scoped3A : memref<!tpu.dma_semaphore, #tpu.memory_space<semaphore_mem>>)
      %dma_wait3A_165 = arith.constant 0 : i32
      %dma_wait3A_166 = tpu.memref_slice %arg24[%dma_wait3A_165] : memref<160000xf32, #tpu.memory_space<vmem_shared>> -> memref<160000xf32, #tpu.memory_space<vmem_shared>>
      tpu.wait_indirect_dma semaphore(%run_scoped3A : memref<!tpu.dma_semaphore, #tpu.memory_space<semaphore_mem>>) src(%dma_wait3A_166 : memref<160000xf32, #tpu.memory_space<vmem_shared>>) dst(%arg16 : memref<10000xf32, #tpu.memory_space<vmem>>)
      tpu.yield
    }) : () -> ()
    %scan3A_131 = arith.constant 0 : i32
    %scan3A_132 = arith.constant 0 : i32
    %scan3A_133 = arith.constant 625 : i32
    %scan3A_134 = arith.addi %scan3A_132, %scan3A_133 : i32
    %scan3A_135 = arith.constant 1 : i32
    %scan3A_136 = scf.for %scan3A_163 = %scan3A_132 to %scan3A_134 step %scan3A_135 iter_args(%scan3A_164 = %scan3A_131) -> (i32)  : i32 {
      %mul3A_165 = arith.constant 16 : i32
      %mul3A_166 = arith.muli %scan3A_163, %mul3A_165 : i32
      %get3A = arith.index_cast %mul3A_166 : i32 to index
      %get3A_167 = tpu.vector_load %arg16[%get3A] {strides = array<i32>} : memref<10000xf32, #tpu.memory_space<vmem>>, vector<16xf32>,
      %max3A = arith.constant 1.000000e+00 : f32
      %max3A_168 = vector.broadcast %max3A : f32 to vector<16xf32>
      %max3A_169 = arith.maximumf %get3A_167, %max3A_168 : vector<16xf32>
      %div3A = arith.constant 1.000000e+00 : f32
      %div3A_170 = vector.broadcast %div3A : f32 to vector<16xf32>
      %div3A_171 = arith.divf %div3A_170, %max3A_169 : vector<16xf32>
      %swap3A_172 = arith.index_cast %mul3A_166 : i32 to index
      %swap3A_173 = tpu.vector_load %arg16[%swap3A_172] {strides = array<i32>} : memref<10000xf32, #tpu.memory_space<vmem>>, vector<16xf32>,
      tpu.vector_store %arg16[%swap3A_172], %div3A_171 {strides = array<i32>} : memref<10000xf32, #tpu.memory_space<vmem>>, vector<16xf32>,
      %scan3A_174 = arith.constant 0 : i32
      scf.yield %scan3A_174 : i32
    }
    %scan3A_137 = arith.constant 625 : i32
    %dma_start3A_138 = arith.constant 0 : i32
    %dma_start3A_139 = tpu.memref_slice %arg25[%dma_start3A_138] : memref<144384xf32, #tpu.memory_space<vmem_shared>> -> memref<144384xf32, #tpu.memory_space<vmem_shared>>
    tpu.enqueue_indirect_dma source(%arg16 : memref<10000xf32, #tpu.memory_space<vmem>>) target(%dma_start3A_139 : memref<144384xf32, #tpu.memory_space<vmem_shared>>) offsets(%arg12 : memref<10000xi32, #tpu.memory_space<vmem>>) semaphore(%arg23 : memref<!tpu.dma_semaphore, #tpu.memory_space<semaphore_mem>>) {add = true}
    "tpu.trace_stop"() : () -> ()
    "tpu.trace_start"() <{level = 10 : i32, message = "sc_nodes"}> : () -> ()
    %iota3A = tpu.iota {dimensions = array<i32: 0>} : vector<16xi32>
    %broadcast_in_dim3A_140 = arith.constant 561 : i32
    %broadcast_in_dim3A_141 = vector.broadcast %broadcast_in_dim3A_140 : i32 to vector<16xi32>
    %scan3A_142 = arith.constant 0 : i32
    %scan3A_143 = arith.constant 0 : i32
    %scan3A_144 = arith.constant 20 : i32
    %scan3A_145 = arith.addi %scan3A_143, %scan3A_144 : i32
    %scan3A_146 = arith.constant 1 : i32
    %scan3A_147 = scf.for %scan3A_163 = %scan3A_143 to %scan3A_145 step %scan3A_146 iter_args(%scan3A_164 = %scan3A_142) -> (i32)  : i32 {
      %mul3A_165 = arith.constant 16 : i32
      %mul3A_166 = arith.muli %scan3A_163, %mul3A_165 : i32
      %mul3A_167 = arith.constant 320 : i32
      %mul3A_168 = arith.muli %add3A, %mul3A_167 : i32
      %mul3A_169 = arith.constant 16 : i32
      %mul3A_170 = arith.muli %scan3A_163, %mul3A_169 : i32
      %add3A_171 = arith.addi %mul3A_168, %mul3A_170 : i32
      %min3A = arith.constant 9984 : i32
      %min3A_172 = arith.minsi %add3A_171, %min3A : i32
      %get3A = arith.index_cast %min3A_172 : i32 to index
      %get3A_173 = tpu.vector_load %arg8[%get3A] {strides = array<i32>} : memref<10000xi32, #tpu.memory_space<vmem>>, vector<16xi32>,
      %get3A_174 = arith.index_cast %min3A_172 : i32 to index
      %get3A_175 = tpu.vector_load %arg9[%get3A_174] {strides = array<i32>} : memref<10000xi32, #tpu.memory_space<vmem>>, vector<16xi32>,
      %mul3A_176 = arith.constant 564 : i32
      %mul3A_177 = vector.broadcast %mul3A_176 : i32 to vector<16xi32>
      %mul3A_178 = arith.muli %get3A_175, %mul3A_177 : vector<16xi32>
      %add3A_179 = arith.constant 528 : i32
      %add3A_180 = vector.broadcast %add3A_179 : i32 to vector<16xi32>
      %add3A_181 = arith.addi %mul3A_178, %add3A_180 : vector<16xi32>
      %add3A_182 = arith.addi %add3A_181, %get3A_173 : vector<16xi32>
      %add3A_183 = vector.broadcast %add3A_171 : i32 to vector<16xi32>
      %add3A_184 = arith.addi %add3A_183, %iota3A : vector<16xi32>
      %lt3A = arith.constant 10000 : i32
      %lt3A_185 = vector.broadcast %lt3A : i32 to vector<16xi32>
      %lt3A_186 = arith.cmpi slt, %add3A_184, %lt3A_185 : vector<16xi32>
      %select_n3A = arith.select %lt3A_186, %add3A_182, %broadcast_in_dim3A_141 : vector<16xi1>, vector<16xi32>
      %swap3A_187 = arith.index_cast %mul3A_166 : i32 to index
      %swap3A_188 = tpu.vector_load %arg18[%swap3A_187] {strides = array<i32>} : memref<320xi32, #tpu.memory_space<vmem>>, vector<16xi32>,
      tpu.vector_store %arg18[%swap3A_187], %select_n3A {strides = array<i32>} : memref<320xi32, #tpu.memory_space<vmem>>, vector<16xi32>,
      %scan3A_189 = arith.constant 0 : i32
      scf.yield %scan3A_189 : i32
    }
    %scan3A_148 = arith.constant 20 : i32
    %dma_start3A_149 = arith.constant 0 : i32
    %dma_start3A_150 = tpu.memref_slice %arg25[%dma_start3A_149] : memref<144384xf32, #tpu.memory_space<vmem_shared>> -> memref<144384xf32, #tpu.memory_space<vmem_shared>>
    tpu.enqueue_indirect_dma source(%arg19 : memref<320xf32, #tpu.memory_space<vmem>>) target(%dma_start3A_150 : memref<144384xf32, #tpu.memory_space<vmem_shared>>) offsets(%arg18 : memref<320xi32, #tpu.memory_space<vmem>>) semaphore(%arg23 : memref<!tpu.dma_semaphore, #tpu.memory_space<semaphore_mem>>) {add = true}
    %dma_wait3A_151 = arith.constant 0 : i32
    %dma_wait3A_152 = tpu.memref_slice %arg25[%dma_wait3A_151] : memref<144384xf32, #tpu.memory_space<vmem_shared>> -> memref<144384xf32, #tpu.memory_space<vmem_shared>>
    tpu.wait_indirect_dma semaphore(%arg23 : memref<!tpu.dma_semaphore, #tpu.memory_space<semaphore_mem>>) src(%arg16 : memref<10000xf32, #tpu.memory_space<vmem>>) dst(%dma_wait3A_152 : memref<144384xf32, #tpu.memory_space<vmem_shared>>)
    %dma_wait3A_153 = arith.constant 0 : i32
    %dma_wait3A_154 = tpu.memref_slice %arg25[%dma_wait3A_153] : memref<144384xf32, #tpu.memory_space<vmem_shared>> -> memref<144384xf32, #tpu.memory_space<vmem_shared>>
    tpu.wait_indirect_dma semaphore(%arg23 : memref<!tpu.dma_semaphore, #tpu.memory_space<semaphore_mem>>) src(%arg19 : memref<320xf32, #tpu.memory_space<vmem>>) dst(%dma_wait3A_154 : memref<144384xf32, #tpu.memory_space<vmem_shared>>)
    "tpu.trace_stop"() : () -> ()
    %barrier3A_155 = arith.constant 0 : index
    tpu.barrier barrier_id(%barrier3A_155)
    "tpu.trace_start"() <{level = 10 : i32, message = "sc_out"}> : () -> ()
    %mul3A_156 = arith.constant 9024 : i32
    %mul3A_157 = arith.muli %arg1, %mul3A_156 : i32
    "tpu.region"() ({
      %run_scoped3A = tpu.sem_alloc : memref<!tpu.dma_semaphore, #tpu.memory_space<semaphore_mem>>
      %dma_start3A_163 = tpu.memref_slice %arg25[%mul3A_157] : memref<144384xf32, #tpu.memory_space<vmem_shared>> -> memref<9024xf32, #tpu.memory_space<vmem_shared>>
      %dma_start3A_164 = tpu.memref_slice %arg25[%mul3A_157] : memref<144384xf32, #tpu.memory_space<vmem_shared>> -> memref<9024xf32, #tpu.memory_space<vmem_shared>>
      tpu.enqueue_dma source(%dma_start3A_164 : memref<9024xf32, #tpu.memory_space<vmem_shared>>) target(%arg17 : memref<9024xf32, #tpu.memory_space<vmem>>) target_semaphore(%run_scoped3A : memref<!tpu.dma_semaphore, #tpu.memory_space<semaphore_mem>>)
      %dma_wait3A_165 = tpu.memref_slice %arg25[%mul3A_157] : memref<144384xf32, #tpu.memory_space<vmem_shared>> -> memref<9024xf32, #tpu.memory_space<vmem_shared>>
      %dma_wait3A_166 = tpu.memref_slice %arg25[%mul3A_157] : memref<144384xf32, #tpu.memory_space<vmem_shared>> -> memref<9024xf32, #tpu.memory_space<vmem_shared>>
      tpu.wait_dma2 semaphore(%run_scoped3A : memref<!tpu.dma_semaphore, #tpu.memory_space<semaphore_mem>>) src(%dma_wait3A_166 : memref<9024xf32, #tpu.memory_space<vmem_shared>>) dst(%arg17 : memref<9024xf32, #tpu.memory_space<vmem>>)
      tpu.yield
    }) : () -> ()
    %mul3A_158 = arith.constant 16 : i32
    %mul3A_159 = arith.muli %arg0, %mul3A_158 : i32
    %add3A_160 = arith.addi %mul3A_159, %arg1 : i32
    %mul3A_161 = arith.constant 9024 : i32
    %mul3A_162 = arith.muli %add3A_160, %mul3A_161 : i32
    "tpu.region"() ({
      %run_scoped3A = tpu.sem_alloc : memref<!tpu.dma_semaphore, #tpu.memory_space<semaphore_mem>>
      %dma_start3A_163 = tpu.memref_slice %arg7[%mul3A_162] : memref<288768xf32, #tpu.memory_space<hbm>> -> memref<9024xf32, #tpu.memory_space<hbm>>
      %dma_start3A_164 = tpu.memref_slice %arg7[%mul3A_162] : memref<288768xf32, #tpu.memory_space<hbm>> -> memref<9024xf32, #tpu.memory_space<hbm>>
      tpu.enqueue_dma source(%arg17 : memref<9024xf32, #tpu.memory_space<vmem>>) target(%dma_start3A_164 : memref<9024xf32, #tpu.memory_space<hbm>>) target_semaphore(%run_scoped3A : memref<!tpu.dma_semaphore, #tpu.memory_space<semaphore_mem>>)
      %dma_wait3A_165 = tpu.memref_slice %arg7[%mul3A_162] : memref<288768xf32, #tpu.memory_space<hbm>> -> memref<9024xf32, #tpu.memory_space<hbm>>
      %dma_wait3A_166 = tpu.memref_slice %arg7[%mul3A_162] : memref<288768xf32, #tpu.memory_space<hbm>> -> memref<9024xf32, #tpu.memory_space<hbm>>
      tpu.wait_dma2 semaphore(%run_scoped3A : memref<!tpu.dma_semaphore, #tpu.memory_space<semaphore_mem>>) src(%arg17 : memref<9024xf32, #tpu.memory_space<vmem>>) dst(%dma_wait3A_166 : memref<9024xf32, #tpu.memory_space<hbm>>)
      tpu.yield
    }) : () -> ()
    "tpu.trace_stop"() : () -> ()
    return
  }
}

module attributes {stable_mosaic.version = 14 : i64} {
  func.func @_prep_body(%arg0: i32, %arg1: memref<64x128xf32, #tpu.memory_space<vmem>>, %arg2: memref<1x128x64xf32, #tpu.memory_space<vmem>>, %arg3: memref<1x64x64xf32, #tpu.memory_space<vmem>>) attributes {dimension_semantics = [#tpu.dimension_semantics<arbitrary>], iteration_bounds = array<i64: 17>, scalar_prefetch = 0 : i64, scratch_operands = 0 : i64, tpu.core_type = #tpu.core_type<tc>, window_params = [{pipeline_mode = #tpu.pipeline_mode<synchronous>, transform_indices = @transform_0, window_bounds = array<i64: 64, 128>}, {transform_indices = @transform_1, window_bounds = array<i64: 1, 128, 64>}, {transform_indices = @transform_2, window_bounds = array<i64: 1, 64, 64>}]} {
    %get3A = arith.constant 0 : index
    %get3A_0 = arith.constant 0 : index
    %get3A_1 = vector.load %arg1[%get3A, %get3A_0] : memref<64x128xf32, #tpu.memory_space<vmem>>, vector<64x128xf32>
    %get3A_2 = arith.constant 0 : index
    %get3A_3 = arith.constant 0 : index
    %get3A_4 = arith.constant 0 : index
    %get3A_5 = vector.load %arg2[%get3A_2, %get3A_3, %get3A_4] : memref<1x128x64xf32, #tpu.memory_space<vmem>>, vector<1x128x64xf32>
    %get3A_6 = vector.shape_cast %get3A_5 : vector<1x128x64xf32> to vector<128x64xf32>
    %dot_general3A = arith.constant dense<0.000000e+00> : vector<64x64xf32>
    %dot_general3A_7 = tpu.matmul %get3A_1, %get3A_6, %dot_general3A {dimension_numbers = #tpu.dot_dimension_numbers<[1], [0], [0], [1], [0, 0, 1, 1], [], []>, transpose_lhs_hint = false} : vector<64x128xf32>, vector<128x64xf32>, vector<64x64xf32> -> vector<64x64xf32>
    %swap3A = arith.constant 0 : index
    %swap3A_8 = arith.constant 0 : index
    %swap3A_9 = arith.constant 0 : index
    %swap3A_10 = vector.load %arg3[%swap3A, %swap3A_8, %swap3A_9] : memref<1x64x64xf32, #tpu.memory_space<vmem>>, vector<1x64x64xf32>
    %swap3A_11 = vector.shape_cast %swap3A_10 : vector<1x64x64xf32> to vector<64x64xf32>
    %swap3A_12 = vector.shape_cast %dot_general3A_7 : vector<64x64xf32> to vector<1x64x64xf32>
    tpu.vector_store %arg3[%swap3A, %swap3A_8, %swap3A_9], %swap3A_12 {strides = array<i32>} : memref<1x64x64xf32, #tpu.memory_space<vmem>>, vector<1x64x64xf32>,
    return
  }
  func.func @transform_0(%arg0: i32) -> (i32, i32) {
    %c0_i32 = arith.constant 0 : i32
    %c0_i32_0 = arith.constant 0 : i32
    %c0_i32_1 = arith.constant 0 : i32
    return %c0_i32, %c0_i32_0 : i32, i32
  }
  func.func @transform_1(%arg0: i32) -> (i32, i32, i32) {
    %c0_i32 = arith.constant 0 : i32
    %c0_i32_0 = arith.constant 0 : i32
    %c0_i32_1 = arith.constant 0 : i32
    return %arg0, %c0_i32, %c0_i32_0 : i32, i32, i32
  }
  func.func @transform_2(%arg0: i32) -> (i32, i32, i32) {
    %c0_i32 = arith.constant 0 : i32
    %c0_i32_0 = arith.constant 0 : i32
    %c0_i32_1 = arith.constant 0 : i32
    return %arg0, %c0_i32, %c0_i32_0 : i32, i32, i32
  }
}

module attributes {stable_mosaic.version = 14 : i64} {
  func.func @_final_body(%arg0: memref<2x256x564xf32, #tpu.memory_space<vmem>>, %arg1: memref<564x64xf32, #tpu.memory_space<vmem>>, %arg2: memref<64xf32, #tpu.memory_space<vmem>>, %arg3: memref<256x64xf32, #tpu.memory_space<vmem>>) attributes {dimension_semantics = [], scalar_prefetch = 0 : i64, scratch_operands = 0 : i64, tpu.core_type = #tpu.core_type<tc>} {
    %get3A = arith.constant 0 : index
    %get3A_0 = arith.constant 0 : index
    %get3A_1 = arith.constant 0 : index
    %get3A_2 = vector.load %arg0[%get3A, %get3A_0, %get3A_1] : memref<2x256x564xf32, #tpu.memory_space<vmem>>, vector<1x256x564xf32>
    %get3A_3 = vector.shape_cast %get3A_2 : vector<1x256x564xf32> to vector<256x564xf32>
    %get3A_4 = arith.constant 1 : index
    %get3A_5 = arith.constant 0 : index
    %get3A_6 = arith.constant 0 : index
    %get3A_7 = vector.load %arg0[%get3A_4, %get3A_5, %get3A_6] : memref<2x256x564xf32, #tpu.memory_space<vmem>>, vector<1x256x564xf32>
    %get3A_8 = vector.shape_cast %get3A_7 : vector<1x256x564xf32> to vector<256x564xf32>
    %add3A = arith.addf %get3A_3, %get3A_8 : vector<256x564xf32>
    %slice3A = vector.extract_strided_slice %add3A {offsets = [0, 528], sizes = [256, 33], strides = [1, 1]} : vector<256x564xf32> to vector<256x33xf32>
    %reduce_sum3A = arith.constant dense<0.000000e+00> : vector<256xf32>
    %reduce_sum3A_9 = vector.multi_reduction <add>, %slice3A, %reduce_sum3A [1] : vector<256x33xf32> to vector<256xf32>
    %get3A_10 = arith.constant 0 : index
    %get3A_11 = arith.constant 0 : index
    %get3A_12 = vector.load %arg1[%get3A_10, %get3A_11] : memref<564x64xf32, #tpu.memory_space<vmem>>, vector<564x64xf32>
    %dot_general3A = arith.constant dense<0.000000e+00> : vector<256x64xf32>
    %dot_general3A_13 = tpu.matmul %add3A, %get3A_12, %dot_general3A {dimension_numbers = #tpu.dot_dimension_numbers<[1], [0], [0], [1], [0, 0, 1, 1], [], []>, transpose_lhs_hint = false} : vector<256x564xf32>, vector<564x64xf32>, vector<256x64xf32> -> vector<256x64xf32>
    %broadcast_in_dim3A = vector.shape_cast %reduce_sum3A_9 : vector<256xf32> to vector<256x1xf32>
    %get3A_14 = arith.constant 0 : index
    %get3A_15 = vector.load %arg2[%get3A_14] : memref<64xf32, #tpu.memory_space<vmem>>, vector<64xf32>
    %broadcast_in_dim3A_16 = vector.shape_cast %get3A_15 : vector<64xf32> to vector<1x64xf32>
    %mul3A = vector.broadcast %broadcast_in_dim3A : vector<256x1xf32> to vector<256x64xf32>
    %mul3A_17 = vector.broadcast %broadcast_in_dim3A_16 : vector<1x64xf32> to vector<256x64xf32>
    %mul3A_18 = arith.mulf %mul3A, %mul3A_17 : vector<256x64xf32>
    %add3A_19 = arith.addf %dot_general3A_13, %mul3A_18 : vector<256x64xf32>
    %max3A = arith.constant 1.000000e+00 : f32
    %max3A_20 = vector.broadcast %max3A : f32 to vector<256xf32>
    %max3A_21 = arith.maximumf %reduce_sum3A_9, %max3A_20 : vector<256xf32>
    %broadcast_in_dim3A_22 = vector.shape_cast %max3A_21 : vector<256xf32> to vector<256x1xf32>
    %div3A = vector.broadcast %broadcast_in_dim3A_22 : vector<256x1xf32> to vector<256x64xf32>
    %div3A_23 = arith.divf %add3A_19, %div3A : vector<256x64xf32>
    %swap3A = arith.constant 0 : index
    %swap3A_24 = arith.constant 0 : index
    %swap3A_25 = vector.load %arg3[%swap3A, %swap3A_24] : memref<256x64xf32, #tpu.memory_space<vmem>>, vector<256x64xf32>
    tpu.vector_store %arg3[%swap3A, %swap3A_24], %div3A_23 {strides = array<i32>} : memref<256x64xf32, #tpu.memory_space<vmem>>, vector<256x64xf32>,
    return
  }
}

</mosaic_0001>

<sc_bundles>
// kernel: kernel.5.cloned.1.call-start
scs
__scs_entry_jumppad:
0x0: {  	(pc) =	sbr.rel $0x88, $3  }
0x1: {  	(tag) =	ssettag $0x0;
	lr =	simm.s32 $0x1  }
0x2: {  	[smem:$0x3F99] =	sst lr;
	_ =	strace $0xD0000000  }
0x3: {  	_ = 	snop  }
0x4: {  	_ = 	snop  }
0x5: {  	_ = 	snop  }
0x6: {  	_ = 	snop  }
0x7: {  	_ = 	snop  }
__scs_overlays_trampoline_lowered:
0x8: {  	[smem:$0x3FA8] =	sst s0  }
0x9: {  	[smem:$0x3FA9] =	sst s1  }
0xa: {  	[smem:$0x3FAA] =	sst s2  }
0xb: {  	[smem:$0x3FAB] =	sst s3  }
0xc: {  	[smem:$0x3FAC] =	sst s4  }
0xd: {  	[smem:$0x3FAD] =	sst s5  }
0xe: {  	[smem:$0x3FAE] =	sst s6  }
0xf: {  	[smem:$0x3FAF] =	sst s7  }
0x10: {  	[smem:$0x3FB0] =	sst s8  }
0x11: {  	[smem:$0x3FB1] =	sst s9;
	s0 =	simm.s32 @!p0 $0x0  }
0x12: {  	s1 =	sld [smem:$0x3F97];
	s0 =	simm.s32 @p0 $0x1  }
0x13: {  	[smem:$0x3FB2] =	sst s0;
	s0 =	simm.s32 @!p1 $0x0  }
0x14: {  	s2 =	sld [smem:$0x3F96];
	s0 =	simm.s32 @p1 $0x1  }
0x15: {  	[smem:$0x3FB3] =	sst s0;
	s0 =	simm.s32 @!p2 $0x0  }
0x16: {  	s3 =	sld [smem:$0x3FDB];
	s0 =	simm.s32 @p2 $0x1  }
0x17: {  	s4 =	simm.s32 $0x1BF5;
	[smem:$0x3FB5] =	sst s0  }
0x18: {  	s0 =	sld [smem:$0x3F98];
	_ =	swait.ge [sflag:s4], $0x0  }
0x19: {  	s7 =	sld [smem:$0x3F99]  }
0x1a: {  	s8 =	sadd.s32 $0xFFFFE003, lr  }
0x1b: {  	s9 =	sadd.s32 $0xFFFFFEF7, lr;
	s5 =	simm.s32 $0xFFFFFFFF;
	p2 =	slt.u32 s8, $0xFFFFF086  }
0x1c: {  	p1 =	slt.u32 s9, $0xF7A;
	s5 =	simm.s32 @!p2 $0x0  }
0x1d: {  	s5 =	simm.s32 @p1 $0x1;
	p0 =	seq.s32 s7, s2  }
0x1e: {  	s7 =	smul.u32 @!p0 $0xF7A, s2;
	p2 =	seq.s32 @!p0 s5, $0x0  }
0x1f: {  	s9 =	smul.u32 $0xF7A, s1;
	s8 =	simm.s32 @!p0 $0x1BF5;
	p2 =	por !p2, p0  }
0x20: {  	[sflag:s8] =	ssyncset.s32 @!p0 $0xFFFFF086;
	s6 =	sadd.s32 @!p0 s3, s7;
	s7 =	simm.s32 @!p0 $0x108  }
0x21: {  	s3 =	sadd.s32 s3, s9;
	s6 =	sadd.s32 @!p0 $0x88, s6;
	s7 =	simm.s32 @p2 $0x1082  }
0x22: {  	[simem:s7], [sflag:s8] =	dma.local @!p0 [hbm:s6], $0xF7A  }
0x23: {  	s9 =	sor.u32 $0xD0000000, s2;
	s6 =	simm.s32 $0x108;
	_ =	swait.ge @!p0 [sflag:s8], $0x0  }
0x24: {  	s3 =	sadd.s32 $0x88, s3;
	s6 =	simm.s32 @!p1 $0x1082;
	[sflag:s4] =	ssyncset.s32 $0xFFFFF086  }
0x25: {  	[simem:s6], [sflag:s4] =	dma.local [hbm:s3], $0xF7A  }
0x26: {  	[smem:$0x3F99] =	sst s1;
	(tag) =	ssettag s2;
	_ =	strace s9  }
0x27: {  	s1 =	sld [smem:$0x3FA9]  }
0x28: {  	s2 =	sld [smem:$0x3FAA]  }
0x29: {  	s4 =	sld [smem:$0x3FAC]  }
0x2a: {  	p0 =	seq.s32 s5, $0x0;
	s5 =	sld [smem:$0x3FAD]  }
0x2b: {  	s6 =	sld [smem:$0x3FAE]  }
0x2c: {  	s7 =	sld [smem:$0x3FAF]  }
0x2d: {  	s3 =	simm.s32 $0x108;
	s8 =	sld [smem:$0x3FB0]  }
0x2e: {  	s3 =	simm.s32 @!p0 $0x1082;
	s9 =	sld [smem:$0x3FB1]  }
0x2f: {  	lr =	sadd.s32 s0, s3;
	s0 =	sld [smem:$0x3FA8]  }
0x30: {  	s3 =	sld [smem:$0x3FAB]  }
0x31: {  	[smem:$0x3FB4] =	sst s10  }
0x32: {  	s10 =	sld [smem:$0x3FB2];
	_ =	sdelay $0x3  }
0x33: {  	p0 =	seq.s32 s10, $0x1;
	s10 =	sld [smem:$0x3FB4];
	_ =	sdelay $0x3  }
0x34: {  	[smem:$0x3FB4] =	sst s10  }
0x35: {  	s10 =	sld [smem:$0x3FB3];
	_ =	sdelay $0x3  }
0x36: {  	p1 =	seq.s32 s10, $0x1;
	s10 =	sld [smem:$0x3FB4];
	_ =	sdelay $0x3  }
0x37: {  	[smem:$0x3FB4] =	sst s10  }
0x38: {  	s10 =	sld [smem:$0x3FB5]  }
0x39: {  	_ = 	snop;
	(pc) =	sbr.ind lr, $3  }
0x3a: {  	_ = 	snop  }
0x3b: {  	_ = 	snop  }
0x3c: {  	p2 =	seq.s32 s10, $0x1;
	s10 =	sld [smem:$0x3FB4]  }
0x3d: {  	_ =	shalt  }
0x3e: {  	_ =	shalt  }
0x3f: {  	_ =	shalt  }
0x40: {  	_ =	shalt  }
0x41: {  	_ =	shalt  }
0x42: {  	_ =	shalt  }
0x43: {  	_ =	shalt  }
0x44: {  	_ =	shalt  }
0x45: {  	_ =	shalt  }
0x46: {  	_ =	shalt  }
0x47: {  	_ =	shalt  }
0x48: {  	_ =	shalt  }
0x49: {  	_ =	shalt  }
0x4a: {  	_ =	shalt  }
0x4b: {  	_ =	shalt  }
0x4c: {  	_ =	shalt  }
0x4d: {  	_ =	shalt  }
0x4e: {  	_ =	shalt  }
0x4f: {  	_ =	shalt  }
0x50: {  	_ =	shalt  }
0x51: {  	_ =	shalt  }
0x52: {  	_ =	shalt  }
0x53: {  	_ =	shalt  }
0x54: {  	_ =	shalt  }
0x55: {  	_ =	shalt  }
0x56: {  	_ =	shalt  }
0x57: {  	_ =	shalt  }
0x58: {  	_ =	shalt  }
0x59: {  	_ =	shalt  }
0x5a: {  	_ =	shalt  }
0x5b: {  	_ =	shalt  }
0x5c: {  	_ =	shalt  }
0x5d: {  	_ =	shalt  }
0x5e: {  	_ =	shalt  }
0x5f: {  	_ =	shalt  }
0x60: {  	_ =	shalt  }
0x61: {  	_ =	shalt  }
0x62: {  	_ =	shalt  }
0x63: {  	_ =	shalt  }
0x64: {  	_ =	shalt  }
0x65: {  	_ =	shalt  }
0x66: {  	_ =	shalt  }
0x67: {  	_ =	shalt  }
0x68: {  	_ =	shalt  }
0x69: {  	_ =	shalt  }
0x6a: {  	_ =	shalt  }
0x6b: {  	_ =	shalt  }
0x6c: {  	_ =	shalt  }
0x6d: {  	_ =	shalt  }
0x6e: {  	_ =	shalt  }
0x6f: {  	_ =	shalt  }
0x70: {  	_ =	shalt  }
0x71: {  	_ =	shalt  }
0x72: {  	_ =	shalt  }
0x73: {  	_ =	shalt  }
0x74: {  	_ =	shalt  }
0x75: {  	_ =	shalt  }
0x76: {  	_ =	shalt  }
0x77: {  	_ =	shalt  }
0x78: {  	_ =	shalt  }
0x79: {  	_ =	shalt  }
0x7a: {  	_ =	shalt  }
0x7b: {  	_ =	shalt  }
0x7c: {  	_ =	shalt  }
0x7d: {  	_ =	shalt  }
0x7e: {  	_ =	shalt  }
0x7f: {  	_ =	shalt  }
0x80: {  	_ =	shalt  }
0x81: {  	_ =	shalt  }
0x82: {  	_ =	shalt  }
0x83: {  	_ =	shalt  }
0x84: {  	_ =	shalt  }
0x85: {  	_ =	shalt  }
0x86: {  	_ =	shalt  }
0x87: {  	_ =	shalt  }
.Lfunc_end0:
.L_simem_size_0:
called_computation_lowered:
.L_overlay_start_0:
0x88: {  	s2 =	sld [smem:$0x3FD9]  }
0x89: {  	s3 =	sld [smem:$0x3FFE];
	_ =	sdelay $0x1  }
0x8a: {  	s1 =	srdreg.scid  }
0x8b: {  	s0 =	sand.u32 $0x1, s1  }
0x8c: {  	s17 =	sshll.u32 s0, $0xA;
	s2 =	sadd.s32 s3, s2  }
0x8d: {  	s2 =	sadd.s32 s2, s17  }
0x8e: {  	[smem:$0x3FC0] =	sst s2  }
0x8f: {  	_ = 	snop  }
0x90: {  	s2 =	sld [smem:$0x3FC6]  }
0x91: {  	s18 =	sld [smem:$0x3FD0];
	(tm) =	ssettm $0x1  }
0x92: {  	s4 =	sld [smem:$0x3FFB];
	_ =	sdelay $0x3  }
0x93: {  	_ =	strace s4  }
0x94: {  	s4 =	sld [smem:$0x3FFC];
	_ =	sdelay $0x3  }
0x95: {  	_ =	strace s4  }
0x96: {  	s4 =	sld [smem:$0x3FFD];
	_ =	sdelay $0x3  }
0x97: {  	_ =	strace s4  }
0x98: {  	_ =	strace $0x8FFFFFFF  }
0x99: {  	s19 =	sld [smem:$0x3FDB];
	_ =	sdelay $0x1  }
0x9a: {  	s5 =	simm.s32 $_scs_section_size  }
0x9b: {  	s6 =	simm.s32 $_size__tile_overlayer_lowered;
	s7 =	simm.s32 $_tile_overlayer_lowered  }
0x9c: {  	s22 =	simm.s32 $0x1BFF;
	s21 =	sshll.u32 s7, $0x1;
	s4 =	sadd.s32 s5, s19  }
0x9d: {  	s8 =	simm.s32 $0x0;
	s20 =	sshll.u32 s6, $0x1;
	s6 =	sadd.s32 s21, s4  }
0x9e: {  	[timem:s8], [sflag:s22] =	dma.local [hbm:s6], s20  }
0x9f: {  	_ =	swait.ge [sflag:s22], s20  }
0xa0: {  	s5 =	ssub.s32 $0x0, s20;
	[sflag:s22] =	ssyncset.done $0x0  }
0xa1: {  	[sflag:s22] =	ssyncadd.s32 s5;
	_ =	sdelay $0x1  }
0xa2: {  	s23 =	simm.s32 $0x1B8B  }
0xa3: {  	_ =	swait.ge [sflag:s23], $0x1  }
0xa4: {  	[sflag:s23] =	ssyncset.done $0x0  }
0xa5: {  	s25 =	simm.s32 $0x1B8E;
	s24 =	sld [smem:$0x3FFE];
	[sflag:s23] =	ssyncadd.s32 $0xFFFFFFFF  }
0xa6: {  	s26 =	simm.s32 $execute0_lowered;
	[smem:$0x3FD2] =	sst s25  }
0xa7: {  	s6 =	sshll.u32 s26, $0x1;
	_ =	strace $0x80000046;
	[dreg:$0x1] =	wrdreg $0xFFFFFFFF  }
0xa8: {  	s28 =	simm.s32 $_size_execute0_lowered;
	s4 =	sadd.s32 s4, s6;
	[dreg:$0x0] =	wrdreg $0x0  }
0xa9: {  	s6 =	sshll.u32 s28, $0x1;
	[dreg:$0x2] =	wrdreg s4  }
0xaa: {  	[dreg:$0x3] =	wrdreg s6  }
0xab: {  	[dreg:$0x4] =	wrdreg $0xC0  }
0xac: {  	_ =	task [dreg:s8], $0x5FFFF  }
0xad: {  	[dreg:$0x1] =	wrdreg $0xFFFFFFFF  }
0xae: {  	[dreg:$0x0] =	wrdreg $0x60  }
0xaf: {  	[dreg:$0x2] =	wrdreg s24  }
0xb0: {  	[dreg:$0x3] =	wrdreg s18  }
0xb1: {  	[dreg:$0x4] =	wrdreg s2  }
0xb2: {  	[dreg:$0x5] =	wrdreg $0x18A000  }
0xb3: {  	[dreg:$0x6] =	wrdreg $0x1B1100  }
0xb4: {  	[dreg:$0x7] =	wrdreg $0x9  }
0xb5: {  	_ =	task.clear_ibuf [dreg:s8], $0x8FFFF;
	_ =	strace $0x90000046  }
0xb6: {  	s29 =	simm.s32 $0x9;
	_ =	strace $0x8000004D  }
0xb7: {  	_ =	swait.ge [sflag:s29], $0x1  }
0xb8: {  	[sflag:s29] =	ssyncadd.s32 $0xFFFFFFFF  }
0xb9: {  	_ =	strace $0x9000004D  }
0xba: {  	_ =	sfence  }
0xbb: {  	s30 =	sld [smem:$0x0];
	_ =	sdelay $0x2  }
0xbc: {  	s31 =	sshll.u32 s1, $0xD;
	s1 =	sshrl.u32 s1, $0x2  }
0xbd: {  	s3 =	sand.u32 $0x4000, s31;
	s1 =	sadd.s32 s1, s30  }
0xbe: {  	s0 =	sor.u32 s3, s0;
	s1 =	sshll.u32 s1, $0x11  }
0xbf: {  	s0 =	sor.u32 s1, s0  }
0xc0: {  	s0 =	sadd.s32 $0x8F2B, s0  }
0xc1: {  	[sflag:s0] =	ssyncadd.remote.s32 $0x1  }
0xc2: {  	_ =	sfence.sel $0xFFFF  }
0xc3: {  	[dreg:$0x0] =	wrdreg $0xFFFFFFFF;
	(pc) =	sbr.abs _section_cstart, $3  }
0xc4: {  	[dreg:$0x1] =	wrdreg $0xFFFFFFFF  }
0xc5: {  	_ =	task.clear_ibuf [dreg:s8], $0x2FFFF;
	_ =	strace $0x9FFFFFFF  }
0xc6: {  	(tm) =	ssettm $0x7FFFFFFF  }
0xc7: {  	_ =	shalt  }
tec
execute0_lowered:
.L_overlay_start_1:
0x0: {  	(tag) =	ssettag $0x1  }
0x1: {  	s0 =	rddreg [dreg:$0x0]  }
0x2: {  	s1 =	srdreg.scid;
	s4 =	rddreg [dreg:$0x3]  }
0x3: {  	s13 =	rddreg [dreg:$0x4];
	s11 =	stileid.u32;
	s6 =	simm.s32 $0x0  }
0x4: {  	s20 =	simm.s32 $0x2780;
	s21 =	simm.s32 $0x16380;
	s22 =	simm.s32 $0x2  }
0x5: {  	s28 =	simm.s32 $0x9E00;
	s29 =	simm.s32 $0x7680;
	s7 =	smul.u32 $0x9C40, s11  }
0x6: {  	s30 =	simm.s32 $0x2710;
	s31 =	simm.s32 $0xC580;
	s9 =	smul.u32 $0x8D00, s11  }
0x7: {  	s1 =	sand.u32 $0x1, s1;
	[smem:$0x7FF] =	sst s6;
	s12 =	smul.u32 $0x4E20, s11  }
0x8: {  	s3 =	sadd.s32 $0x13C00, s0;
	s5 =	sshll.u32 s11, $0x1;
	s26 =	smul.u32 $0x280, s11  }
0x9: {  	s2 =	sshll.u32 s1, $0x4;
	_ =	strace $0x80000047;
	s8 =	ssub.s32 $0x2, s1  }
0xa: {  	s5 =	sor.u32 s1, s5;
	s1 =	smul.u32 $0x140, s1;
	s2 =	sor.u32 s11, s2  }
0xb: {  	s10 =	sshrl.u32 s8, $0x1;
	s7 =	sshrl.u32 s7, $0x2;
	s5 =	smul.u32 $0x4E2, s5  }
0xc: {  	s24 =	sshrl.u32 s9, $0x2;
	s15 =	sshrl.u32 s12, $0x3;
	s2 =	smul.u32 $0x468, s2  }
0xd: {  	s8 =	ssub.s32 s8, s10;
	s7 =	sadd.s32 s7, s4;
	s10 =	sadd.s32 s24, s13  }
0xe: {  	s13 =	sadd.s32 s0, s15;
	s14 =	sadd.s32 s3, s15;
	s16 =	sadd.s32 $0x4E2, s15  }
0xf: {  	s19 =	sadd.s32 s1, s26;
	s26 =	simm.s32 $0x1;
	s1 =	simm.s32 $0x5  }
0x10: {  	s23 =	sadd.s32 $0x1388, s7;
	s9 =	sadd.s32 s0, s5;
	s12 =	sadd.s32 s3, s5  }
0x11: {  	s15 =	sadd.s32 s0, s16;
	s16 =	sadd.s32 s3, s16;
	s18 =	smax.u32 s8, $0x1  }
0x12: {  	s3 =	simm.s32 $0x4;
	s2 =	sadd.s32 s2, s0;
	[dreg:$0x6] =	wrdreg s23  }
0x13: {  	s25 =	sadd.s32 $0x9E00, s9;
	s0 =	simm.s32 $0x3;
	s23 =	simm.s32 $0x0  }
0x14: {  	v0 =	vimm.f32 $0.0e+00;
	v1 =	vimm.f32 $1.000000000e+00;
	[dreg:$0x7] =	wrdreg s25;
	s17 =	sadd.s32 $0x1DA00, s2;
	s2 =	simm.s32 $0x13C00  }
.LBB2_1:
0x15: {  	_ =	strace $0x80000048  }
0x16: {  	s5 =	rddreg [dreg:$0x1]  }
0x17: {  	[tilespmem:s6], [sflag:$0x1] =	stream.linear.gather [hbm4b:s5+s6], $0x2780, $0x200038;
	[tilespmem:$0x1D450] =	vst v63  }
0x18: {  	s24 =	simm.s32 $0x200;
	s25 =	rddreg [dreg:$0x2];
	s5 =	simm.s32 $0x0  }
0x19: {  	[tilespmem:s20], [sflag:$0x1] =	stream.linear.gather [hbm4b:s25+s6], $0x2780, $0x200038;
	[tilespmem:$0x1D450] =	vst v63  }
.LBB2_2:
0x1a: {  	p0 =	sne.s32 s24, $0x8A00;
	[tilespmem:s5+$0x163F0] =	vst v0  }
0x1b: {  	[tilespmem:s5+$0x16380] =	vst v0  }
0x1c: {  	[tilespmem:s5+$0x16390] =	vst v0  }
.Ltmp0:
0x1d: {  	[tilespmem:s5+$0x163A0] =	vst v0;
	(pc) =	sbr.rel @p0 .LBB2_2-.Ltmp0, $4  }
0x1e: {  	[tilespmem:s5+$0x163B0] =	vst v0  }
0x1f: {  	[tilespmem:s5+$0x163C0] =	vst v0  }
0x20: {  	[tilespmem:s5+$0x163D0] =	vst v0  }
0x21: {  	[tilespmem:s5+$0x163E0] =	vst v0;
	s5 =	sshra.s32 s24, $0x2;
	s24 =	sadd.s32 $0x200, s24  }
0x22: {  	[tilespmem:s5+$0x163F0] =	vst v0  }
0x23: {  	[tilespmem:s5+$0x16380] =	vst v0  }
0x24: {  	[tilespmem:s5+$0x16390] =	vst v0  }
0x25: {  	[tilespmem:s5+$0x163A0] =	vst v0  }
0x26: {  	[tilespmem:s5+$0x163B0] =	vst v0  }
0x27: {  	[tilespmem:s5+$0x163C0] =	vst v0  }
0x28: {  	[tilespmem:s5+$0x163D0] =	vst v0  }
0x29: {  	[tilespmem:s5+$0x163E0] =	vst v0  }
0x2a: {  	[tilespmem:$0x18680] =	vst v0  }
0x2b: {  	[tilespmem:$0x18690] =	vst v0  }
0x2c: {  	[tilespmem:$0x186A0] =	vst v0  }
0x2d: {  	[tilespmem:$0x186B0] =	vst v0  }
0x2e: {  	[spmem:s7] =	stream.linear.scatter [tilespmem:s21], [sflag:$0x2], $0x1388, $0x200038;
	[tilespmem:$0x1D450] =	vst v63  }
0x2f: {  	s25 =	rddreg [dreg:$0x6]  }
0x30: {  	[spmem:s25] =	stream.linear.scatter [tilespmem:s21], [sflag:$0x2], $0x1388, $0x200038;
	[tilespmem:$0x1D450] =	vst v63  }
0x31: {  	_ = 	snop  }
0x32: {  	[spmem:s10] =	stream.linear.scatter [tilespmem:s21], [sflag:$0x2], $0x2340, $0x200038;
	[tilespmem:$0x1D450] =	vst v63  }
0x33: {  	[tilespmem:$0x18880] =	vst v1  }
0x34: {  	[tilespmem:$0x18890] =	vst v1  }
0x35: {  	[tilespmem:$0x188A0] =	vst v1  }
0x36: {  	[tilespmem:$0x188B0] =	vst v1  }
0x37: {  	[tilespmem:$0x188C0] =	vst v1  }
0x38: {  	[tilespmem:$0x188D0] =	vst v1  }
0x39: {  	[tilespmem:$0x188E0] =	vst v1  }
0x3a: {  	[tilespmem:$0x188F0] =	vst v1  }
0x3b: {  	[tilespmem:$0x18900] =	vst v1  }
0x3c: {  	[tilespmem:$0x18910] =	vst v1  }
0x3d: {  	[tilespmem:$0x18920] =	vst v1  }
0x3e: {  	[tilespmem:$0x18930] =	vst v1  }
0x3f: {  	[tilespmem:$0x18940] =	vst v1  }
0x40: {  	[tilespmem:$0x18950] =	vst v1  }
0x41: {  	[tilespmem:$0x18960] =	vst v1  }
0x42: {  	[tilespmem:$0x18970] =	vst v1  }
0x43: {  	[tilespmem:$0x18980] =	vst v1  }
0x44: {  	[tilespmem:$0x18990] =	vst v1  }
0x45: {  	[tilespmem:$0x189A0] =	vst v1  }
0x46: {  	[tilespmem:$0x189B0] =	vst v1  }
0x47: {  	_ =	swait.ge [sflag:s22], $0x1388  }
0x48: {  	[sflag:s22] =	ssyncset.done $0x0  }
0x49: {  	[sflag:s22] =	ssyncadd.s32 $0xFFFFEC78  }
0x4a: {  	_ =	swait.ge [sflag:s22], $0x1388  }
0x4b: {  	[sflag:s22] =	ssyncset.done $0x0  }
0x4c: {  	[sflag:s22] =	ssyncadd.s32 $0xFFFFEC78  }
0x4d: {  	_ =	swait.ge [sflag:s22], $0x2340  }
0x4e: {  	[sflag:s22] =	ssyncset.done $0x0  }
0x4f: {  	s5 =	simm.s32 $0x0;
	s24 =	simm.s32 $0x200;
	[sflag:s22] =	ssyncadd.s32 $0xFFFFDCC0  }
.LBB2_4:
0x50: {  	p0 =	sne.s32 s24, $0x9A00;
	[tilespmem:s5+$0x13C70] =	vst v1  }
0x51: {  	[tilespmem:s5+$0x13C00] =	vst v1  }
0x52: {  	[tilespmem:s5+$0x13C10] =	vst v1  }
.Ltmp1:
0x53: {  	[tilespmem:s5+$0x13C20] =	vst v1;
	(pc) =	sbr.rel @p0 .LBB2_4-.Ltmp1, $4  }
0x54: {  	[tilespmem:s5+$0x13C30] =	vst v1  }
0x55: {  	[tilespmem:s5+$0x13C40] =	vst v1  }
0x56: {  	[tilespmem:s5+$0x13C50] =	vst v1  }
0x57: {  	[tilespmem:s5+$0x13C60] =	vst v1;
	s5 =	sshra.s32 s24, $0x2;
	s24 =	sadd.s32 $0x200, s24  }
0x58: {  	[tilespmem:s5+$0x13C70] =	vst v1  }
0x59: {  	[tilespmem:s5+$0x13C00] =	vst v1  }
0x5a: {  	[tilespmem:s5+$0x13C10] =	vst v1  }
0x5b: {  	[tilespmem:s5+$0x13C20] =	vst v1  }
0x5c: {  	[tilespmem:s5+$0x13C30] =	vst v1  }
0x5d: {  	[tilespmem:s5+$0x13C40] =	vst v1  }
0x5e: {  	[tilespmem:s5+$0x13C50] =	vst v1  }
0x5f: {  	[tilespmem:s5+$0x13C60] =	vst v1  }
0x60: {  	s5 =	simm.s32 $0x0;
	s8 =	rddreg [dreg:$0x7];
	s11 =	simm.s32 $0x4F00;
	[tilespmem:$0x16300] =	vst v1  }
0x61: {  	[tilespmem:s11], [sflag:$0x3] =	stream.linear.gather [hbm4b:s8+s5], $0x2710, $0x200038;
	[tilespmem:$0x1D450] =	vst v63  }
0x62: {  	s24 =	simm.s32 $0x11480  }
0x63: {  	[tilespmem:s24], [sflag:$0x3] =	stream.linear.gather [hbm4b:s9+s5], $0x2710, $0x200038;
	[tilespmem:$0x1D450] =	vst v63  }
0x64: {  	s25 =	simm.s32 $0xED00  }
0x65: {  	[tilespmem:s25], [sflag:$0x3] =	stream.linear.gather [hbm4b:s12+s5], $0x2710, $0x200038;
	[tilespmem:$0x1D450] =	vst v63  }
0x66: {  	_ =	swait.ge [sflag:s26], $0x2780  }
0x67: {  	[sflag:s26] =	ssyncset.done $0x0  }
0x68: {  	[sflag:s26] =	ssyncadd.s32 $0xFFFFD880  }
0x69: {  	_ =	swait.ge [sflag:s26], $0x2780  }
0x6a: {  	[sflag:s26] =	ssyncset.done $0x0  }
0x6b: {  	[sflag:s26] =	ssyncadd.s32 $0xFFFFD880  }
0x6c: {  	_ =	strace $0x90000048  }
0x6d: {  	[bflag:$0x0] =	sbarrier.arrive $0xFFFF  }
0x6e: {  	_ =	strace $0x80000049  }
0x6f: {  	[tilespmem:s28], [sflag:$0x1] =	stream.linear.gather [hbm4b:s13+s5], $0x2710, $0x200038;
	[tilespmem:$0x1D450] =	vst v63  }
0x70: {  	_ = 	snop  }
0x71: {  	[tilespmem:s29], [sflag:$0x1] =	stream.linear.gather [hbm4b:s14+s5], $0x2710, $0x200038;
	[tilespmem:$0x1D450] =	vst v63  }
0x72: {  	_ =	swait.ge [sflag:s26], $0x2710  }
0x73: {  	[sflag:s26] =	ssyncset.done $0x0  }
0x74: {  	[sflag:s26] =	ssyncadd.s32 $0xFFFFD8F0  }
0x75: {  	_ =	swait.ge [sflag:s26], $0x2710  }
0x76: {  	[sflag:s26] =	ssyncset.done $0x0  }
0x77: {  	s5 =	simm.s32 $0x0;
	[sflag:s26] =	ssyncadd.s32 $0xFFFFD8F0  }
0x78: {  	v2 =	vld [tilespmem:s5+$0x9E00]  }
0x79: {  	s24 =	simm.s32 $0x40;
	v3 =	vld [tilespmem:s5+$0x7680]  }
.LBB2_6:
0x7a: {  	p0 =	sne.s32 s24, $0x9C00  }
.Ltmp2:
0x7b: {  	_ = 	snop;
	(pc) =	sbr.rel @p0 .LBB2_6-.Ltmp2, $4  }
0x7c: {  	_ = 	snop  }
0x7d: {  	s8 =	sshra.s32 s24, $0x2;
	s24 =	sadd.s32 $0x40, s24;
	v4 =	vshll.u32 v2, $0x4  }
0x7e: {  	v2 =	vld [tilespmem:s8+$0x9E00];
	v4 =	vadd.s32 v3, v4  }
0x7f: {  	v3 =	vld [tilespmem:s8+$0x7680];
	[tilespmem:s5+$0xC580] =	vst v4;
	s5 =	smov.u32 s8  }
0x80: {  	_ =	sdelay $0x2  }
0x81: {  	v2 =	vshll.u32 v2, $0x4  }
0x82: {  	v2 =	vadd.s32 v3, v2  }
0x83: {  	[tilespmem:s5+$0xC580] =	vst v2  }
0x84: {  	[spmem:s4] =	stream.indirect.scatter.add.f32 [tilespmem:s2], [sflag:$0x4], $0x1, s31, s30, $0x2000b8;
	[tilespmem:$0x1D450] =	vst v63  }
0x85: {  	s25 =	simm.s32 $0x0  }
0x86: {  	[tilespmem:s28], [sflag:$0x1] =	stream.linear.gather [hbm4b:s15+s25], $0x2710, $0x200038;
	[tilespmem:$0x1D450] =	vst v63  }
0x87: {  	_ = 	snop  }
0x88: {  	[tilespmem:s29], [sflag:$0x1] =	stream.linear.gather [hbm4b:s16+s25], $0x2710, $0x200038;
	[tilespmem:$0x1D450] =	vst v63  }
0x89: {  	_ =	swait.ge [sflag:s26], $0x2710  }
0x8a: {  	[sflag:s26] =	ssyncset.done $0x0  }
0x8b: {  	[sflag:s26] =	ssyncadd.s32 $0xFFFFD8F0  }
0x8c: {  	_ =	swait.ge [sflag:s26], $0x2710  }
0x8d: {  	[sflag:s26] =	ssyncset.done $0x0  }
0x8e: {  	[sflag:s26] =	ssyncadd.s32 $0xFFFFD8F0  }
0x8f: {  	_ =	swait.ge [sflag:s3], $0x2710  }
0x90: {  	[sflag:s3] =	ssyncset.done $0x0  }
0x91: {  	s5 =	simm.s32 $0x0;
	[sflag:s3] =	ssyncadd.s32 $0xFFFFD8F0  }
0x92: {  	v2 =	vld [tilespmem:s5+$0x9E00]  }
0x93: {  	s24 =	simm.s32 $0x40;
	v3 =	vld [tilespmem:s5+$0x7680]  }
.LBB2_8:
0x94: {  	p0 =	sne.s32 s24, $0x9C00  }
.Ltmp3:
0x95: {  	_ = 	snop;
	(pc) =	sbr.rel @p0 .LBB2_8-.Ltmp3, $4  }
0x96: {  	_ = 	snop  }
0x97: {  	s8 =	sshra.s32 s24, $0x2;
	s24 =	sadd.s32 $0x40, s24;
	v4 =	vshll.u32 v2, $0x4  }
0x98: {  	v2 =	vld [tilespmem:s8+$0x9E00];
	v4 =	vadd.s32 v3, v4  }
0x99: {  	v3 =	vld [tilespmem:s8+$0x7680];
	[tilespmem:s5+$0xC580] =	vst v4;
	s5 =	smov.u32 s8  }
0x9a: {  	_ =	sdelay $0x2  }
0x9b: {  	v2 =	vshll.u32 v2, $0x4  }
0x9c: {  	v2 =	vadd.s32 v3, v2  }
0x9d: {  	[tilespmem:s5+$0xC580] =	vst v2  }
0x9e: {  	[spmem:s4] =	stream.indirect.scatter.add.f32 [tilespmem:s2], [sflag:$0x4], $0x1, s31, s30, $0x2000b8;
	[tilespmem:$0x1D450] =	vst v63  }
0x9f: {  	_ =	swait.ge [sflag:s3], $0x2710  }
0xa0: {  	[sflag:s3] =	ssyncset.done $0x0  }
0xa1: {  	[sflag:s3] =	ssyncadd.s32 $0xFFFFD8F0  }
0xa2: {  	_ =	strace $0x90000049  }
0xa3: {  	[bflag:$0x0] =	sbarrier.arrive $0xFFFF  }
0xa4: {  	_ =	strace $0x8000004A  }
0xa5: {  	_ =	swait.ge [sflag:s0], $0x2710  }
0xa6: {  	[sflag:s0] =	ssyncset.done $0x0  }
0xa7: {  	[sflag:s0] =	ssyncadd.s32 $0xFFFFD8F0  }
0xa8: {  	_ =	swait.ge [sflag:s0], $0x2710  }
0xa9: {  	[sflag:s0] =	ssyncset.done $0x0  }
0xaa: {  	[sflag:s0] =	ssyncadd.s32 $0xFFFFD8F0  }
0xab: {  	_ =	swait.ge [sflag:s0], $0x2710  }
0xac: {  	[sflag:s0] =	ssyncset.done $0x0  }
0xad: {  	s25 =	simm.s32 $0x0;
	[sflag:s0] =	ssyncadd.s32 $0xFFFFD8F0  }
0xae: {  	v5 =	vld [tilespmem:s25+$0x11480]  }
0xaf: {  	v2 =	vld [tilespmem:s25+$0xED00];
	_ =	sdelay $0x3  }
0xb0: {  	v3 =	vshll.u32 v5, $0x4  }
0xb1: {  	v6 =	vld [tilespmem:s25+$0x4F00];
	v3 =	vadd.s32 v2, v3  }
0xb2: {  	s24 =	simm.s32 $0x10;
	[tilespmem:s25+$0xC580] =	vst v3  }
0xb3: {  	v3 =	vld [tilespmem:s24+$0x11480]  }
0xb4: {  	v4 =	vld [tilespmem:s24+$0xED00];
	_ =	sdelay $0x3  }
0xb5: {  	v5 =	vld.idx.msk [tilespmem:v5+s20+$0x0], $0xffff;
	v7 =	vshll.u32 v3, $0x4  }
0xb6: {  	s5 =	simm.s32 $0x80;
	v6 =	vld.idx.msk [tilespmem:v6+s6+$0x0], $0xffff;
	v7 =	vadd.s32 v4, v7  }
.LBB2_10:
0xb7: {  	p0 =	sne.s32 s5, $0x9C00;
	[tilespmem:s24+$0xC580] =	vst v7  }
0xb8: {  	v8 =	vld [tilespmem:s24+$0x4F00]  }
0xb9: {  	s8 =	sshra.s32 s5, $0x2  }
0xba: {  	v9 =	vmul.u32 $0x21, v2;
	v2 =	vmov v4;
	v7 =	vld [tilespmem:s8+$0x11480]  }
0xbb: {  	v5 =	vmul.u32 $0x234, v5;
	v4 =	vld [tilespmem:s8+$0xED00]  }
.Ltmp4:
0xbc: {  	v6 =	vadd.s32 v9, v6;
	(pc) =	sbr.rel @p0 .LBB2_10-.Ltmp4, $4  }
0xbd: {  	v5 =	vadd.s32 v5, v6  }
0xbe: {  	[tilespmem:s25+$0x9E00] =	vst v5;
	s25 =	smov.u32 s24;
	s24 =	smov.u32 s8  }
0xbf: {  	v6 =	vshll.u32 v7, $0x4;
	v5 =	vld.idx.msk [tilespmem:v3+s20+$0x0], $0xffff;
	v3 =	vmov v7  }
0xc0: {  	s5 =	sadd.s32 $0x40, s5;
	v7 =	vadd.s32 v4, v6;
	v6 =	vld.idx.msk [tilespmem:v8+s6+$0x0], $0xffff  }
0xc1: {  	v63 =	vld [tilespmem:s24+$0x4F00];
	_ =	sdelay $0x1  }
0xc2: {  	v2 =	vmul.u32 $0x21, v2  }
0xc3: {  	v5 =	vmul.u32 $0x234, v5  }
0xc4: {  	v2 =	vadd.s32 v2, v6  }
0xc5: {  	[tilespmem:s24+$0xC580] =	vst v7;
	v2 =	vadd.s32 v5, v2  }
0xc6: {  	[tilespmem:s25+$0x9E00] =	vst v2  }
0xc7: {  	v2 =	vld.idx.msk [tilespmem:v3+s20+$0x0], $0xffff  }
0xc8: {  	v3 =	vld.idx.msk [tilespmem:v63+s6+$0x0], $0xffff;
	_ =	sdelay $0x2  }
0xc9: {  	v4 =	vmul.u32 $0x21, v4  }
0xca: {  	v2 =	vmul.u32 $0x234, v2  }
0xcb: {  	v3 =	vadd.s32 v4, v3  }
0xcc: {  	v2 =	vadd.s32 v2, v3  }
0xcd: {  	[tilespmem:s24+$0x9E00] =	vst v2  }
0xce: {  	[tilespmem:s2], [sflag:$0x5] =	stream.indirect.gather [spmem:s4], $0x1, s31, s30, $0x2000b8;
	[tilespmem:$0x1D450] =	vst v63  }
0xcf: {  	_ =	swait.ge [sflag:s1], $0x2710  }
0xd0: {  	[sflag:s1] =	ssyncset.done $0x0  }
0xd1: {  	s5 =	simm.s32 $0x0;
	s24 =	simm.s32 $0x40;
	[sflag:s1] =	ssyncadd.s32 $0xFFFFD8F0  }
.LBB2_12:
0xd2: {  	p0 =	sne.s32 s24, $0x9C00;
	v2 =	vld [tilespmem:s5+$0x13C00];
	_ =	sdelay $0x4  }
0xd3: {  	v2 =	vmax.f32 v2, $1.000000000e+00  }
0xd4: {  	(erf) = vrcp.f32 v2;
	_ =	sdelay $0x5  }
.Ltmp5:
0xd5: {  	(pc) =	sbr.rel @p0 .LBB2_12-.Ltmp5, $3  }
0xd6: {  	_ =	sdelay $0x1  }
0xd7: {  	v2 =	vpop (erf)  }
0xd8: {  	[tilespmem:s5+$0x13C00] =	vst v2;
	s5 =	sshra.s32 s24, $0x2;
	s24 =	sadd.s32 $0x40, s24  }
0xd9: {  	v2 =	vld [tilespmem:s5+$0x13C00];
	_ =	sdelay $0x4  }
0xda: {  	v2 =	vmax.f32 v2, $1.000000000e+00  }
0xdb: {  	(erf) = vrcp.f32 v2;
	_ =	sdelay $0x8  }
0xdc: {  	v2 =	vpop (erf)  }
0xdd: {  	s25 =	rddreg [dreg:$0x4];
	[tilespmem:s5+$0x13C00] =	vst v2  }
0xde: {  	[spmem:s25] =	stream.indirect.scatter.add.f32 [tilespmem:s2], [sflag:$0x4], $0x1, s28, s30, $0x2000b8;
	[tilespmem:$0x1D450] =	vst v63  }
0xdf: {  	s24 =	simm.s32 $0x0;
	s8 =	smin.u32 s19, $0x2700;
	_ =	strace $0x9000004A  }
0xe0: {  	s5 =	simm.s32 $0x40;
	s25 =	smov.u32 s19;
	_ =	strace $0x8000004B  }
.LBB2_14:
0xe1: {  	p0 =	sne.s32 s5, $0x4C0;
	v2 =	vld [tilespmem:s8+$0x2780];
	_ =	sdelay $0x1  }
0xe2: {  	v3 =	vld [tilespmem:s8+$0x0];
	_ =	sdelay $0x2  }
0xe3: {  	v2 =	vmul.u32 $0x234, v2  }
.Ltmp6:
0xe4: {  	(pc) =	sbr.rel @p0 .LBB2_14-.Ltmp6, $4  }
0xe5: {  	v2 =	vadd.s32 v2, v3  }
0xe6: {  	p1 =	slt.u32 s25, $0x2710;
	v2 =	vadd.s32 $0x210, v2  }
0xe7: {  	s11 =	sshra.s32 s24, $0x2;
	s25 =	sadd.s32 $0x10, s25;
	s24 =	smov.u32 s5;
	v2 =	vpsel !p1, $0x231, v2  }
0xe8: {  	s5 =	sadd.s32 $0x40, s5;
	s8 =	smin.u32 s25, $0x2700;
	[tilespmem:s11+$0x18700] =	vst v2  }
0xe9: {  	v2 =	vld [tilespmem:s8+$0x2780];
	_ =	sdelay $0x1  }
0xea: {  	v3 =	vld [tilespmem:s8+$0x0];
	_ =	sdelay $0x2  }
0xeb: {  	v2 =	vmul.u32 $0x234, v2;
	_ =	sdelay $0x1  }
0xec: {  	v2 =	vadd.s32 v2, v3  }
0xed: {  	p0 =	slt.u32 s25, $0x2710;
	v2 =	vadd.s32 $0x210, v2  }
0xee: {  	s5 =	sshra.s32 s24, $0x2;
	s8 =	rddreg [dreg:$0x4];
	v2 =	vpsel !p0, $0x231, v2  }
0xef: {  	s24 =	simm.s32 $0x140;
	s11 =	simm.s32 $0x18700;
	s25 =	simm.s32 $0x18880;
	[tilespmem:s5+$0x18700] =	vst v2  }
0xf0: {  	[spmem:s8] =	stream.indirect.scatter.add.f32 [tilespmem:s25], [sflag:$0x4], $0x1, s11, s24, $0x2000b8;
	[tilespmem:$0x1D450] =	vst v63  }
0xf1: {  	_ =	swait.ge [sflag:s3], $0x2710  }
0xf2: {  	[sflag:s3] =	ssyncset.done $0x0  }
0xf3: {  	[sflag:s3] =	ssyncadd.s32 $0xFFFFD8F0  }
0xf4: {  	_ =	swait.ge [sflag:s3], $0x140  }
0xf5: {  	[sflag:s3] =	ssyncset.done $0x0  }
0xf6: {  	[sflag:s3] =	ssyncadd.s32 $0xFFFFFEC0  }
0xf7: {  	_ =	strace $0x9000004B  }
0xf8: {  	[bflag:$0x0] =	sbarrier.arrive $0xFFFF  }
0xf9: {  	_ =	strace $0x8000004C  }
0xfa: {  	[tilespmem:s21], [sflag:$0x5] =	stream.linear.gather [spmem:s10], $0x2340, $0x200038;
	[tilespmem:$0x1D450] =	vst v63  }
0xfb: {  	_ =	swait.ge [sflag:s1], $0x2340  }
0xfc: {  	s23 =	sadd.s32 $0x1, s23;
	[sflag:s1] =	ssyncset.done $0x0  }
0xfd: {  	p0 =	sne.s32 s23, s18;
	[sflag:s1] =	ssyncadd.s32 $0xFFFFDCC0  }
0xfe: {  	[hbm4b:s17+s6] =	stream.linear.scatter [tilespmem:s21], [sflag:$0x5], $0x2340, $0x200038;
	[tilespmem:$0x1D450] =	vst v63  }
.Ltmp7:
0xff: {  	_ = 	snop;
	(pc) =	sbr.rel @p0 .LBB2_1-.Ltmp7, $4  }
0x100: {  	_ =	swait.ge [sflag:s1], $0x2340  }
0x101: {  	[sflag:s1] =	ssyncset.done $0x0  }
0x102: {  	[sflag:s1] =	ssyncadd.s32 $0xFFFFDCC0  }
0x103: {  	_ =	strace $0x9000004C  }
0x104: {  	_ =	sfence.sel $0x180000  }
0x105: {  	[bflag:$0x0] =	sbarrier.arrive $0xFFFF  }
0x106: {  	_ =	strace $0x90000047  }
0x107: {  	s0 =	stileid.u32;
	[bflag:$0x2] =	sbarrier.arrive $0xFFFF  }
0x108: {  	p0 =	sne.s32 s0, $0x0;
	s0 =	rddreg [dreg:$0x5]  }
0x109: {  	s0 =	sadd.s32 @!p0 $0x100000, s0  }
0x10a: {  	[sflag:s0] =	ssyncadd.tile.s32 @!p0 $0x1;
	_ =	shalt  }
.Lfunc_end2:
_tile_overlayer_lowered:
.L_overlay_start_2:
0x10b: {  	(tag) =	ssettag $0x2  }
0x10c: {  	s0 =	rddreg [dreg:$0x0];
	s2 =	stileid.u32  }
0x10d: {  	s1 =	rddreg [dreg:$0x1];
	p0 =	sne.s32 s2, $0x0  }
0x10e: {  	s3 =	rddreg [dreg:$0x2];
	[bflag:$0x3] =	sbarrier.arrive $0xFFFF;
	s2 =	simm.s32 @!p0 $0x1C05  }
0x10f: {  	[timem:s3], [sflag:s2] =	dma.local @!p0 [hbm:s0], s1  }
0x110: {  	s0 =	simm.s32 @!p0 $0x5  }
0x111: {  	_ =	swait.ge @!p0 [sflag:s0], s1  }
0x112: {  	s1 =	ssub.s32 @!p0 $0x0, s1;
	[sflag:s0] =	ssyncset.done @!p0 $0x0  }
0x113: {  	[sflag:s0] =	ssyncadd.s32 @!p0 s1  }
0x114: {  	[bflag:$0x3] =	sbarrier.arrive $0xFFFF  }
0x115: {  	_ =	shalt  }

</sc_bundles>
